<compile_context>
chip_gen: v7x
topology: tpu7x:2x2x1
jax: 0.10.2.dev20260603
libtpu: 0.0.44.dev20260713+nightly
codegen_flags: <defaults>
</compile_context>

<pallas_src>
import functools

import jax
import jax.numpy as jnp
from jax import lax
from jax.experimental import pallas as pl
from jax.experimental.pallas import tpu as pltpu
from jax.experimental.pallas import tpu_sc as plsc

N = 10000
E = 160000
D = 256
D2 = 2 * D

NW = 32
EPW = 5120
E_PAD = NW * EPW
CH = 32
NCHUNK = EPW // CH
LANES = 16


def _uv_body(zs, zo, zi, wit, wot, bi, bo, u, v):
    a_in = jnp.dot(zs[...], wit[...], preferred_element_type=jnp.float32) + bi[...]
    a_out = jnp.dot(zs[...], wot[...], preferred_element_type=jnp.float32) + bo[...]
    u[:, :D] = zo[...]
    u[:, D:] = a_in
    v[:, :D] = 0.5 * a_out
    v[:, D:] = 0.5 * zi[...]


def _build_uv(z_self, z_out, z_in, W_in_T, W_out_T, b_in, b_out):
    R = 1000
    grid = (N // R,)
    return pl.pallas_call(
        _uv_body,
        grid=grid,
        in_specs=[
            pl.BlockSpec((R, D), lambda i: (i, 0)),
            pl.BlockSpec((R, D), lambda i: (i, 0)),
            pl.BlockSpec((R, D), lambda i: (i, 0)),
            pl.BlockSpec((D, D), lambda i: (0, 0)),
            pl.BlockSpec((D, D), lambda i: (0, 0)),
            pl.BlockSpec((1, D), lambda i: (0, 0)),
            pl.BlockSpec((1, D), lambda i: (0, 0)),
        ],
        out_specs=[
            pl.BlockSpec((R, D2), lambda i: (i, 0)),
            pl.BlockSpec((R, D2), lambda i: (i, 0)),
        ],
        out_shape=[
            jax.ShapeDtypeStruct((N, D2), jnp.float32),
            jax.ShapeDtypeStruct((N, D2), jnp.float32),
        ],
    )(z_self, z_out, z_in, W_in_T, W_out_T, b_in, b_out)


def _sc_body(u_hbm, v_hbm, src_hbm, dst_hbm, out_hbm,
             idx_s_all, idx_d_all, rows_u0, rows_v0, rows_u1, rows_v1,
             accs, out_v, sem_u0, sem_v0, sem_u1, sem_v1):
    wid = lax.axis_index("s") * 2 + lax.axis_index("c")
    base = wid * EPW
    lane_iota = lax.iota(jnp.int32, LANES)

    pltpu.sync_copy(src_hbm.at[pl.ds(base, EPW)], idx_s_all)
    pltpu.sync_copy(dst_hbm.at[pl.ds(base, EPW)], idx_d_all)

    def issue(c, ru, rv, su, sv):
        pltpu.async_copy(u_hbm.at[idx_s_all.at[pl.ds(c * CH, CH)]], ru, su)
        pltpu.async_copy(v_hbm.at[idx_d_all.at[pl.ds(c * CH, CH)]], rv, sv)

    def drain(ru, rv, su, sv):
        pltpu.make_async_copy(u_hbm.at[pl.ds(0, CH)], ru, su).wait()
        pltpu.make_async_copy(v_hbm.at[pl.ds(0, CH)], rv, sv).wait()

    def compute(c, ru, rv):
        for g in range(CH // LANES):
            def edge_body(e, carry2):
                r = g * LANES + e
                lanes_acc = [None, None, None, None]
                for j in range(D2 // LANES // 4):
                    p = (ru[r, pl.ds(j * LANES, LANES)]
                         * rv[r, pl.ds(j * LANES, LANES)])
                    k = j % 4
                    lanes_acc[k] = p if lanes_acc[k] is None else lanes_acc[k] + p
                acc = ((lanes_acc[0] + lanes_acc[1])
                       + (lanes_acc[2] + lanes_acc[3]))
                accs[e, :] = acc
                return carry2

            lax.fori_loop(0, LANES, edge_body, 0)
            tot = plsc.load_gather(
                accs, [lane_iota, jnp.zeros((LANES,), jnp.int32)])
            for l in range(1, LANES):
                tot = tot + plsc.load_gather(
                    accs, [lane_iota, jnp.full((LANES,), l, jnp.int32)])
            sig = 1.0 / (1.0 + jnp.exp(-tot))
            out_v[pl.ds(c * CH + g * LANES, LANES)] = sig

    issue(0, rows_u0, rows_v0, sem_u0, sem_v0)

    def pair_body(t, carry):
        c0 = 2 * t
        c1 = 2 * t + 1
        issue(c1, rows_u1, rows_v1, sem_u1, sem_v1)
        drain(rows_u0, rows_v0, sem_u0, sem_v0)
        compute(c0, rows_u0, rows_v0)

        @pl.when(c1 + 1 < NCHUNK)
        def _():
            issue(c1 + 1, rows_u0, rows_v0, sem_u0, sem_v0)

        drain(rows_u1, rows_v1, sem_u1, sem_v1)
        compute(c1, rows_u1, rows_v1)
        return carry

    lax.fori_loop(0, NCHUNK // 2, pair_body, 0)
    pltpu.sync_copy(out_v, out_hbm.at[pl.ds(base, EPW)])


_sc_edge_scores = functools.partial(
    pl.kernel,
    mesh=plsc.VectorSubcoreMesh(core_axis_name="c", subcore_axis_name="s"),
    compiler_params=pltpu.CompilerParams(needs_layout_passes=False),
    out_type=jax.ShapeDtypeStruct((E_PAD,), jnp.float32),
    scratch_types=[
        pltpu.VMEM((EPW,), jnp.int32),
        pltpu.VMEM((EPW,), jnp.int32),
        pltpu.VMEM((CH, D2), jnp.float32),
        pltpu.VMEM((CH, D2), jnp.float32),
        pltpu.VMEM((CH, D2), jnp.float32),
        pltpu.VMEM((CH, D2), jnp.float32),
        pltpu.VMEM((LANES, LANES), jnp.float32),
        pltpu.VMEM((EPW,), jnp.float32),
        pltpu.SemaphoreType.DMA,
        pltpu.SemaphoreType.DMA,
        pltpu.SemaphoreType.DMA,
        pltpu.SemaphoreType.DMA,
    ],
)(_sc_body)


def kernel(z_in, z_out, z_self, edge_index, W_in, b_in, W_out, b_out):
    U, V = _build_uv(z_self, z_out, z_in,
                     W_in.T, W_out.T,
                     b_in.reshape(1, D), b_out.reshape(1, D))
    ei = edge_index.astype(jnp.int32)
    pad = jnp.zeros((E_PAD - E,), jnp.int32)
    src = jnp.concatenate([ei[0], pad])
    dst = jnp.concatenate([ei[1], pad])
    out = _sc_edge_scores(U, V, src, dst)
    return out[:E]

# --- scband reference (transcript-rebuilt; emitter-appended) ---
"""Pipeline reference for scband-decoder-88802743812895 (READ-ONLY COPY).

The authoritative reference and input builder live on the scoring server;
editing this copy changes nothing except your own understanding.
"""

import jax, jax.numpy as jnp
import numpy as np

N = 10000
E = 160000
D = 256
ALPHA = 0.5
BETA = 0.5


def setup_inputs(seed: int = 0) -> dict:
    key = jax.random.key(seed)
    k1, k2, k3, k4, k5, k6, k7, k8 = jax.random.split(key, 8)
    z_in = jax.random.normal(k1, (N, D), dtype=jnp.float32)
    z_out = jax.random.normal(k2, (N, D), dtype=jnp.float32)
    z_self = jax.random.normal(k3, (N, D), dtype=jnp.float32)
    edge_index = jax.random.randint(k4, (2, E), 0, N, dtype=jnp.int64)
    # Linear layer params (torch.nn.Linear: y = x @ W.T + b)
    W_in = jax.random.normal(k5, (D, D), dtype=jnp.float32) * (1.0 / np.sqrt(D))
    b_in = jax.random.normal(k6, (D,), dtype=jnp.float32) * 0.01
    W_out = jax.random.normal(k7, (D, D), dtype=jnp.float32) * (1.0 / np.sqrt(D))
    b_out = jax.random.normal(k8, (D,), dtype=jnp.float32) * 0.01
    return {"z_in": z_in, "z_out": z_out, "z_self": z_self, "edge_index": edge_index,
            "W_in": W_in, "b_in": b_in, "W_out": W_out, "b_out": b_out}


def reference(z_in, z_out, z_self, edge_index, W_in, b_in, W_out, b_out):
    src = edge_index[0]
    dst = edge_index[1]
    # align_out(z_self[dst])
    a_out = jnp.take(z_self, dst, axis=0) @ W_out.T + b_out
    term1 = jnp.sum(jnp.take(z_out, src, axis=0) * a_out, axis=1) * ALPHA
    # align_in(z_self[src])
    a_in = jnp.take(z_self, src, axis=0) @ W_in.T + b_in
    term2 = jnp.sum(a_in * jnp.take(z_in, dst, axis=0), axis=1) * BETA
    value = term1 + term2
    return jax.nn.sigmoid(value)

if __name__ == "__main__":
    import jax
    _d = setup_inputs()
    print(jax.jit(kernel)(*tuple(_d.values())))

</pallas_src>

<mosaic_0001>
#map = affine_map<(d0, d1) -> (0, 0)>
#map1 = affine_map<(d0, d1) -> (0)>
module attributes {stable_mosaic.version = 14 : i64} {
  func.func @_sc_body(%arg0: i32, %arg1: i32, %arg2: memref<10000x512xf32, #tpu.memory_space<hbm>>, %arg3: memref<10000x512xf32, #tpu.memory_space<hbm>>, %arg4: memref<163840xi32, #tpu.memory_space<hbm>>, %arg5: memref<163840xi32, #tpu.memory_space<hbm>>, %arg6: memref<163840xf32, #tpu.memory_space<hbm>>, %arg7: memref<5120xi32, #tpu.memory_space<vmem>>, %arg8: memref<5120xi32, #tpu.memory_space<vmem>>, %arg9: memref<32x512xf32, #tpu.memory_space<vmem>>, %arg10: memref<32x512xf32, #tpu.memory_space<vmem>>, %arg11: memref<32x512xf32, #tpu.memory_space<vmem>>, %arg12: memref<32x512xf32, #tpu.memory_space<vmem>>, %arg13: memref<16x16xf32, #tpu.memory_space<vmem>>, %arg14: memref<5120xf32, #tpu.memory_space<vmem>>, %arg15: memref<!tpu.dma_semaphore, #tpu.memory_space<semaphore_mem>>, %arg16: memref<!tpu.dma_semaphore, #tpu.memory_space<semaphore_mem>>, %arg17: memref<!tpu.dma_semaphore, #tpu.memory_space<semaphore_mem>>, %arg18: memref<!tpu.dma_semaphore, #tpu.memory_space<semaphore_mem>>) attributes {dimension_semantics = [#tpu.dimension_semantics<core_parallel>, #tpu.dimension_semantics<subcore_parallel>], iteration_bounds = array<i64: 2, 16>, scalar_prefetch = 0 : i64, scratch_operands = 12 : i64, tpu.core_type = #tpu.core_type<sc_vector_subcore>, window_params = [{transform_indices = #map}, {transform_indices = #map}, {transform_indices = #map1}, {transform_indices = #map1}, {transform_indices = #map1}]} {
    %mul3A = arith.constant 2 : i32
    %mul3A_0 = arith.muli %arg1, %mul3A : i32
    %add3A = arith.addi %mul3A_0, %arg0 : i32
    %mul3A_1 = arith.constant 5120 : i32
    %mul3A_2 = arith.muli %add3A, %mul3A_1 : i32
    %iota3A = tpu.iota {dimensions = array<i32: 0>} : vector<16xi32>
    "tpu.region"() ({
      %run_scoped3A = tpu.sem_alloc : memref<!tpu.dma_semaphore, #tpu.memory_space<semaphore_mem>>
      %dma_start3A_17 = tpu.memref_slice %arg4[%mul3A_2] : memref<163840xi32, #tpu.memory_space<hbm>> -> memref<5120xi32, #tpu.memory_space<hbm>>
      %dma_start3A_18 = tpu.memref_slice %arg4[%mul3A_2] : memref<163840xi32, #tpu.memory_space<hbm>> -> memref<5120xi32, #tpu.memory_space<hbm>>
      tpu.enqueue_dma source(%dma_start3A_18 : memref<5120xi32, #tpu.memory_space<hbm>>) target(%arg7 : memref<5120xi32, #tpu.memory_space<vmem>>) target_semaphore(%run_scoped3A : memref<!tpu.dma_semaphore, #tpu.memory_space<semaphore_mem>>)
      %dma_wait3A = tpu.memref_slice %arg4[%mul3A_2] : memref<163840xi32, #tpu.memory_space<hbm>> -> memref<5120xi32, #tpu.memory_space<hbm>>
      %dma_wait3A_19 = tpu.memref_slice %arg4[%mul3A_2] : memref<163840xi32, #tpu.memory_space<hbm>> -> memref<5120xi32, #tpu.memory_space<hbm>>
      tpu.wait_dma2 semaphore(%run_scoped3A : memref<!tpu.dma_semaphore, #tpu.memory_space<semaphore_mem>>) src(%dma_wait3A_19 : memref<5120xi32, #tpu.memory_space<hbm>>) dst(%arg7 : memref<5120xi32, #tpu.memory_space<vmem>>)
      tpu.yield
    }) : () -> ()
    "tpu.region"() ({
      %run_scoped3A = tpu.sem_alloc : memref<!tpu.dma_semaphore, #tpu.memory_space<semaphore_mem>>
      %dma_start3A_17 = tpu.memref_slice %arg5[%mul3A_2] : memref<163840xi32, #tpu.memory_space<hbm>> -> memref<5120xi32, #tpu.memory_space<hbm>>
      %dma_start3A_18 = tpu.memref_slice %arg5[%mul3A_2] : memref<163840xi32, #tpu.memory_space<hbm>> -> memref<5120xi32, #tpu.memory_space<hbm>>
      tpu.enqueue_dma source(%dma_start3A_18 : memref<5120xi32, #tpu.memory_space<hbm>>) target(%arg8 : memref<5120xi32, #tpu.memory_space<vmem>>) target_semaphore(%run_scoped3A : memref<!tpu.dma_semaphore, #tpu.memory_space<semaphore_mem>>)
      %dma_wait3A = tpu.memref_slice %arg5[%mul3A_2] : memref<163840xi32, #tpu.memory_space<hbm>> -> memref<5120xi32, #tpu.memory_space<hbm>>
      %dma_wait3A_19 = tpu.memref_slice %arg5[%mul3A_2] : memref<163840xi32, #tpu.memory_space<hbm>> -> memref<5120xi32, #tpu.memory_space<hbm>>
      tpu.wait_dma2 semaphore(%run_scoped3A : memref<!tpu.dma_semaphore, #tpu.memory_space<semaphore_mem>>) src(%dma_wait3A_19 : memref<5120xi32, #tpu.memory_space<hbm>>) dst(%arg8 : memref<5120xi32, #tpu.memory_space<vmem>>)
      tpu.yield
    }) : () -> ()
    %dma_start3A = arith.constant 0 : i32
    %dma_start3A_3 = tpu.memref_slice %arg7[%dma_start3A] : memref<5120xi32, #tpu.memory_space<vmem>> -> memref<32xi32, #tpu.memory_space<vmem>>
    %dma_start3A_4 = arith.constant 0 : i32
    %dma_start3A_5 = arith.constant 0 : i32
    %dma_start3A_6 = tpu.memref_slice %arg2[%dma_start3A_4, %dma_start3A_5] : memref<10000x512xf32, #tpu.memory_space<hbm>> -> memref<10000x512xf32, #tpu.memory_space<hbm>>
    tpu.enqueue_indirect_dma source(%dma_start3A_6 : memref<10000x512xf32, #tpu.memory_space<hbm>>) target(%arg9 : memref<32x512xf32, #tpu.memory_space<vmem>>) offsets(%dma_start3A_3 : memref<32xi32, #tpu.memory_space<vmem>>) semaphore(%arg15 : memref<!tpu.dma_semaphore, #tpu.memory_space<semaphore_mem>>)
    %dma_start3A_7 = arith.constant 0 : i32
    %dma_start3A_8 = tpu.memref_slice %arg8[%dma_start3A_7] : memref<5120xi32, #tpu.memory_space<vmem>> -> memref<32xi32, #tpu.memory_space<vmem>>
    %dma_start3A_9 = arith.constant 0 : i32
    %dma_start3A_10 = arith.constant 0 : i32
    %dma_start3A_11 = tpu.memref_slice %arg3[%dma_start3A_9, %dma_start3A_10] : memref<10000x512xf32, #tpu.memory_space<hbm>> -> memref<10000x512xf32, #tpu.memory_space<hbm>>
    tpu.enqueue_indirect_dma source(%dma_start3A_11 : memref<10000x512xf32, #tpu.memory_space<hbm>>) target(%arg10 : memref<32x512xf32, #tpu.memory_space<vmem>>) offsets(%dma_start3A_8 : memref<32xi32, #tpu.memory_space<vmem>>) semaphore(%arg16 : memref<!tpu.dma_semaphore, #tpu.memory_space<semaphore_mem>>)
    %scan3A = arith.constant 0 : i32
    %scan3A_12 = arith.constant 0 : i32
    %scan3A_13 = arith.constant 80 : i32
    %scan3A_14 = arith.addi %scan3A_12, %scan3A_13 : i32
    %scan3A_15 = arith.constant 1 : i32
    scf.for %scan3A_17 = %scan3A_12 to %scan3A_14 step %scan3A_15  : i32 {
      %mul3A_18 = arith.constant 2 : i32
      %mul3A_19 = arith.muli %mul3A_18, %scan3A_17 : i32
      %mul3A_20 = arith.constant 2 : i32
      %mul3A_21 = arith.muli %mul3A_20, %scan3A_17 : i32
      %add3A_22 = arith.constant 1 : i32
      %add3A_23 = arith.addi %mul3A_21, %add3A_22 : i32
      %mul3A_24 = arith.constant 32 : i32
      %mul3A_25 = arith.muli %add3A_23, %mul3A_24 : i32
      %dma_start3A_26 = tpu.memref_slice %arg7[%mul3A_25] : memref<5120xi32, #tpu.memory_space<vmem>> -> memref<32xi32, #tpu.memory_space<vmem>>
      %dma_start3A_27 = arith.constant 0 : i32
      %dma_start3A_28 = arith.constant 0 : i32
      %dma_start3A_29 = tpu.memref_slice %arg2[%dma_start3A_27, %dma_start3A_28] : memref<10000x512xf32, #tpu.memory_space<hbm>> -> memref<10000x512xf32, #tpu.memory_space<hbm>>
      tpu.enqueue_indirect_dma source(%dma_start3A_29 : memref<10000x512xf32, #tpu.memory_space<hbm>>) target(%arg11 : memref<32x512xf32, #tpu.memory_space<vmem>>) offsets(%dma_start3A_26 : memref<32xi32, #tpu.memory_space<vmem>>) semaphore(%arg17 : memref<!tpu.dma_semaphore, #tpu.memory_space<semaphore_mem>>)
      %mul3A_30 = arith.constant 32 : i32
      %mul3A_31 = arith.muli %add3A_23, %mul3A_30 : i32
      %dma_start3A_32 = tpu.memref_slice %arg8[%mul3A_31] : memref<5120xi32, #tpu.memory_space<vmem>> -> memref<32xi32, #tpu.memory_space<vmem>>
      %dma_start3A_33 = arith.constant 0 : i32
      %dma_start3A_34 = arith.constant 0 : i32
      %dma_start3A_35 = tpu.memref_slice %arg3[%dma_start3A_33, %dma_start3A_34] : memref<10000x512xf32, #tpu.memory_space<hbm>> -> memref<10000x512xf32, #tpu.memory_space<hbm>>
      tpu.enqueue_indirect_dma source(%dma_start3A_35 : memref<10000x512xf32, #tpu.memory_space<hbm>>) target(%arg12 : memref<32x512xf32, #tpu.memory_space<vmem>>) offsets(%dma_start3A_32 : memref<32xi32, #tpu.memory_space<vmem>>) semaphore(%arg18 : memref<!tpu.dma_semaphore, #tpu.memory_space<semaphore_mem>>)
      %dma_wait3A = arith.constant 0 : i32
      %dma_wait3A_36 = arith.constant 0 : i32
      %dma_wait3A_37 = tpu.memref_slice %arg2[%dma_wait3A, %dma_wait3A_36] : memref<10000x512xf32, #tpu.memory_space<hbm>> -> memref<32x512xf32, #tpu.memory_space<hbm>>
      %dma_wait3A_38 = arith.constant 0 : i32
      %dma_wait3A_39 = arith.constant 0 : i32
      %dma_wait3A_40 = tpu.memref_slice %arg2[%dma_wait3A_38, %dma_wait3A_39] : memref<10000x512xf32, #tpu.memory_space<hbm>> -> memref<32x512xf32, #tpu.memory_space<hbm>>
      tpu.wait_dma2 semaphore(%arg15 : memref<!tpu.dma_semaphore, #tpu.memory_space<semaphore_mem>>) src(%dma_wait3A_40 : memref<32x512xf32, #tpu.memory_space<hbm>>) dst(%arg9 : memref<32x512xf32, #tpu.memory_space<vmem>>)
      %dma_wait3A_41 = arith.constant 0 : i32
      %dma_wait3A_42 = arith.constant 0 : i32
      %dma_wait3A_43 = tpu.memref_slice %arg3[%dma_wait3A_41, %dma_wait3A_42] : memref<10000x512xf32, #tpu.memory_space<hbm>> -> memref<32x512xf32, #tpu.memory_space<hbm>>
      %dma_wait3A_44 = arith.constant 0 : i32
      %dma_wait3A_45 = arith.constant 0 : i32
      %dma_wait3A_46 = tpu.memref_slice %arg3[%dma_wait3A_44, %dma_wait3A_45] : memref<10000x512xf32, #tpu.memory_space<hbm>> -> memref<32x512xf32, #tpu.memory_space<hbm>>
      tpu.wait_dma2 semaphore(%arg16 : memref<!tpu.dma_semaphore, #tpu.memory_space<semaphore_mem>>) src(%dma_wait3A_46 : memref<32x512xf32, #tpu.memory_space<hbm>>) dst(%arg10 : memref<32x512xf32, #tpu.memory_space<vmem>>)
      %scan3A_47 = arith.constant 0 : i32
      %scan3A_48 = arith.constant 0 : i32
      %scan3A_49 = arith.constant 16 : i32
      %scan3A_50 = arith.addi %scan3A_48, %scan3A_49 : i32
      %scan3A_51 = arith.constant 1 : i32
      scf.for %scan3A_397 = %scan3A_48 to %scan3A_50 step %scan3A_51  : i32 {
        %add3A_398 = arith.constant 0 : i32
        %add3A_399 = arith.addi %add3A_398, %scan3A_397 : i32
        %get3A = arith.index_cast %add3A_399 : i32 to index
        %get3A_400 = arith.constant 0 : index
        %get3A_401 = tpu.vector_load %arg9[%get3A, %get3A_400] {strides = array<i32>} : memref<32x512xf32, #tpu.memory_space<vmem>>, vector<16xf32>,
        %get3A_402 = arith.index_cast %add3A_399 : i32 to index
        %get3A_403 = arith.constant 0 : index
        %get3A_404 = tpu.vector_load %arg10[%get3A_402, %get3A_403] {strides = array<i32>} : memref<32x512xf32, #tpu.memory_space<vmem>>, vector<16xf32>,
        %mul3A_405 = arith.mulf %get3A_401, %get3A_404 : vector<16xf32>
        %get3A_406 = arith.index_cast %add3A_399 : i32 to index
        %get3A_407 = arith.constant 16 : index
        %get3A_408 = tpu.vector_load %arg9[%get3A_406, %get3A_407] {strides = array<i32>} : memref<32x512xf32, #tpu.memory_space<vmem>>, vector<16xf32>,
        %get3A_409 = arith.index_cast %add3A_399 : i32 to index
        %get3A_410 = arith.constant 16 : index
        %get3A_411 = tpu.vector_load %arg10[%get3A_409, %get3A_410] {strides = array<i32>} : memref<32x512xf32, #tpu.memory_space<vmem>>, vector<16xf32>,
        %mul3A_412 = arith.mulf %get3A_408, %get3A_411 : vector<16xf32>
        %get3A_413 = arith.index_cast %add3A_399 : i32 to index
        %get3A_414 = arith.constant 32 : index
        %get3A_415 = tpu.vector_load %arg9[%get3A_413, %get3A_414] {strides = array<i32>} : memref<32x512xf32, #tpu.memory_space<vmem>>, vector<16xf32>,
        %get3A_416 = arith.index_cast %add3A_399 : i32 to index
        %get3A_417 = arith.constant 32 : index
        %get3A_418 = tpu.vector_load %arg10[%get3A_416, %get3A_417] {strides = array<i32>} : memref<32x512xf32, #tpu.memory_space<vmem>>, vector<16xf32>,
        %mul3A_419 = arith.mulf %get3A_415, %get3A_418 : vector<16xf32>
        %get3A_420 = arith.index_cast %add3A_399 : i32 to index
        %get3A_421 = arith.constant 48 : index
        %get3A_422 = tpu.vector_load %arg9[%get3A_420, %get3A_421] {strides = array<i32>} : memref<32x512xf32, #tpu.memory_space<vmem>>, vector<16xf32>,
        %get3A_423 = arith.index_cast %add3A_399 : i32 to index
        %get3A_424 = arith.constant 48 : index
        %get3A_425 = tpu.vector_load %arg10[%get3A_423, %get3A_424] {strides = array<i32>} : memref<32x512xf32, #tpu.memory_space<vmem>>, vector<16xf32>,
        %mul3A_426 = arith.mulf %get3A_422, %get3A_425 : vector<16xf32>
        %get3A_427 = arith.index_cast %add3A_399 : i32 to index
        %get3A_428 = arith.constant 64 : index
        %get3A_429 = tpu.vector_load %arg9[%get3A_427, %get3A_428] {strides = array<i32>} : memref<32x512xf32, #tpu.memory_space<vmem>>, vector<16xf32>,
        %get3A_430 = arith.index_cast %add3A_399 : i32 to index
        %get3A_431 = arith.constant 64 : index
        %get3A_432 = tpu.vector_load %arg10[%get3A_430, %get3A_431] {strides = array<i32>} : memref<32x512xf32, #tpu.memory_space<vmem>>, vector<16xf32>,
        %mul3A_433 = arith.mulf %get3A_429, %get3A_432 : vector<16xf32>
        %add3A_434 = arith.addf %mul3A_405, %mul3A_433 : vector<16xf32>
        %get3A_435 = arith.index_cast %add3A_399 : i32 to index
        %get3A_436 = arith.constant 80 : index
        %get3A_437 = tpu.vector_load %arg9[%get3A_435, %get3A_436] {strides = array<i32>} : memref<32x512xf32, #tpu.memory_space<vmem>>, vector<16xf32>,
        %get3A_438 = arith.index_cast %add3A_399 : i32 to index
        %get3A_439 = arith.constant 80 : index
        %get3A_440 = tpu.vector_load %arg10[%get3A_438, %get3A_439] {strides = array<i32>} : memref<32x512xf32, #tpu.memory_space<vmem>>, vector<16xf32>,
        %mul3A_441 = arith.mulf %get3A_437, %get3A_440 : vector<16xf32>
        %add3A_442 = arith.addf %mul3A_412, %mul3A_441 : vector<16xf32>
        %get3A_443 = arith.index_cast %add3A_399 : i32 to index
        %get3A_444 = arith.constant 96 : index
        %get3A_445 = tpu.vector_load %arg9[%get3A_443, %get3A_444] {strides = array<i32>} : memref<32x512xf32, #tpu.memory_space<vmem>>, vector<16xf32>,
        %get3A_446 = arith.index_cast %add3A_399 : i32 to index
        %get3A_447 = arith.constant 96 : index
        %get3A_448 = tpu.vector_load %arg10[%get3A_446, %get3A_447] {strides = array<i32>} : memref<32x512xf32, #tpu.memory_space<vmem>>, vector<16xf32>,
        %mul3A_449 = arith.mulf %get3A_445, %get3A_448 : vector<16xf32>
        %add3A_450 = arith.addf %mul3A_419, %mul3A_449 : vector<16xf32>
        %get3A_451 = arith.index_cast %add3A_399 : i32 to index
        %get3A_452 = arith.constant 112 : index
        %get3A_453 = tpu.vector_load %arg9[%get3A_451, %get3A_452] {strides = array<i32>} : memref<32x512xf32, #tpu.memory_space<vmem>>, vector<16xf32>,
        %get3A_454 = arith.index_cast %add3A_399 : i32 to index
        %get3A_455 = arith.constant 112 : index
        %get3A_456 = tpu.vector_load %arg10[%get3A_454, %get3A_455] {strides = array<i32>} : memref<32x512xf32, #tpu.memory_space<vmem>>, vector<16xf32>,
        %mul3A_457 = arith.mulf %get3A_453, %get3A_456 : vector<16xf32>
        %add3A_458 = arith.addf %mul3A_426, %mul3A_457 : vector<16xf32>
        %add3A_459 = arith.addf %add3A_434, %add3A_442 : vector<16xf32>
        %add3A_460 = arith.addf %add3A_450, %add3A_458 : vector<16xf32>
        %add3A_461 = arith.addf %add3A_459, %add3A_460 : vector<16xf32>
        %swap3A_462 = arith.index_cast %scan3A_397 : i32 to index
        %swap3A_463 = arith.constant 0 : index
        %swap3A_464 = tpu.vector_load %arg13[%swap3A_462, %swap3A_463] {strides = array<i32>} : memref<16x16xf32, #tpu.memory_space<vmem>>, vector<16xf32>,
        tpu.vector_store %arg13[%swap3A_462, %swap3A_463], %add3A_461 {strides = array<i32>} : memref<16x16xf32, #tpu.memory_space<vmem>>, vector<16xf32>,
      }
      %scan3A_52 = arith.constant 16 : i32
      %broadcast_in_dim3A = arith.constant 0 : i32
      %broadcast_in_dim3A_53 = vector.broadcast %broadcast_in_dim3A : i32 to vector<16xi32>
      %gather3A = tpu.vector_load_idx %arg13[%iota3A, %broadcast_in_dim3A_53] : memref<16x16xf32, #tpu.memory_space<vmem>>[vector<16xi32>, vector<16xi32>], vector<16xf32>,
      %broadcast_in_dim3A_54 = arith.constant 1 : i32
      %broadcast_in_dim3A_55 = vector.broadcast %broadcast_in_dim3A_54 : i32 to vector<16xi32>
      %gather3A_56 = tpu.vector_load_idx %arg13[%iota3A, %broadcast_in_dim3A_55] : memref<16x16xf32, #tpu.memory_space<vmem>>[vector<16xi32>, vector<16xi32>], vector<16xf32>,
      %add3A_57 = arith.addf %gather3A, %gather3A_56 : vector<16xf32>
      %broadcast_in_dim3A_58 = arith.constant 2 : i32
      %broadcast_in_dim3A_59 = vector.broadcast %broadcast_in_dim3A_58 : i32 to vector<16xi32>
      %gather3A_60 = tpu.vector_load_idx %arg13[%iota3A, %broadcast_in_dim3A_59] : memref<16x16xf32, #tpu.memory_space<vmem>>[vector<16xi32>, vector<16xi32>], vector<16xf32>,
      %add3A_61 = arith.addf %add3A_57, %gather3A_60 : vector<16xf32>
      %broadcast_in_dim3A_62 = arith.constant 3 : i32
      %broadcast_in_dim3A_63 = vector.broadcast %broadcast_in_dim3A_62 : i32 to vector<16xi32>
      %gather3A_64 = tpu.vector_load_idx %arg13[%iota3A, %broadcast_in_dim3A_63] : memref<16x16xf32, #tpu.memory_space<vmem>>[vector<16xi32>, vector<16xi32>], vector<16xf32>,
      %add3A_65 = arith.addf %add3A_61, %gather3A_64 : vector<16xf32>
      %broadcast_in_dim3A_66 = arith.constant 4 : i32
      %broadcast_in_dim3A_67 = vector.broadcast %broadcast_in_dim3A_66 : i32 to vector<16xi32>
      %gather3A_68 = tpu.vector_load_idx %arg13[%iota3A, %broadcast_in_dim3A_67] : memref<16x16xf32, #tpu.memory_space<vmem>>[vector<16xi32>, vector<16xi32>], vector<16xf32>,
      %add3A_69 = arith.addf %add3A_65, %gather3A_68 : vector<16xf32>
      %broadcast_in_dim3A_70 = arith.constant 5 : i32
      %broadcast_in_dim3A_71 = vector.broadcast %broadcast_in_dim3A_70 : i32 to vector<16xi32>
      %gather3A_72 = tpu.vector_load_idx %arg13[%iota3A, %broadcast_in_dim3A_71] : memref<16x16xf32, #tpu.memory_space<vmem>>[vector<16xi32>, vector<16xi32>], vector<16xf32>,
      %add3A_73 = arith.addf %add3A_69, %gather3A_72 : vector<16xf32>
      %broadcast_in_dim3A_74 = arith.constant 6 : i32
      %broadcast_in_dim3A_75 = vector.broadcast %broadcast_in_dim3A_74 : i32 to vector<16xi32>
      %gather3A_76 = tpu.vector_load_idx %arg13[%iota3A, %broadcast_in_dim3A_75] : memref<16x16xf32, #tpu.memory_space<vmem>>[vector<16xi32>, vector<16xi32>], vector<16xf32>,
      %add3A_77 = arith.addf %add3A_73, %gather3A_76 : vector<16xf32>
      %broadcast_in_dim3A_78 = arith.constant 7 : i32
      %broadcast_in_dim3A_79 = vector.broadcast %broadcast_in_dim3A_78 : i32 to vector<16xi32>
      %gather3A_80 = tpu.vector_load_idx %arg13[%iota3A, %broadcast_in_dim3A_79] : memref<16x16xf32, #tpu.memory_space<vmem>>[vector<16xi32>, vector<16xi32>], vector<16xf32>,
      %add3A_81 = arith.addf %add3A_77, %gather3A_80 : vector<16xf32>
      %broadcast_in_dim3A_82 = arith.constant 8 : i32
      %broadcast_in_dim3A_83 = vector.broadcast %broadcast_in_dim3A_82 : i32 to vector<16xi32>
      %gather3A_84 = tpu.vector_load_idx %arg13[%iota3A, %broadcast_in_dim3A_83] : memref<16x16xf32, #tpu.memory_space<vmem>>[vector<16xi32>, vector<16xi32>], vector<16xf32>,
      %add3A_85 = arith.addf %add3A_81, %gather3A_84 : vector<16xf32>
      %broadcast_in_dim3A_86 = arith.constant 9 : i32
      %broadcast_in_dim3A_87 = vector.broadcast %broadcast_in_dim3A_86 : i32 to vector<16xi32>
      %gather3A_88 = tpu.vector_load_idx %arg13[%iota3A, %broadcast_in_dim3A_87] : memref<16x16xf32, #tpu.memory_space<vmem>>[vector<16xi32>, vector<16xi32>], vector<16xf32>,
      %add3A_89 = arith.addf %add3A_85, %gather3A_88 : vector<16xf32>
      %broadcast_in_dim3A_90 = arith.constant 10 : i32
      %broadcast_in_dim3A_91 = vector.broadcast %broadcast_in_dim3A_90 : i32 to vector<16xi32>
      %gather3A_92 = tpu.vector_load_idx %arg13[%iota3A, %broadcast_in_dim3A_91] : memref<16x16xf32, #tpu.memory_space<vmem>>[vector<16xi32>, vector<16xi32>], vector<16xf32>,
      %add3A_93 = arith.addf %add3A_89, %gather3A_92 : vector<16xf32>
      %broadcast_in_dim3A_94 = arith.constant 11 : i32
      %broadcast_in_dim3A_95 = vector.broadcast %broadcast_in_dim3A_94 : i32 to vector<16xi32>
      %gather3A_96 = tpu.vector_load_idx %arg13[%iota3A, %broadcast_in_dim3A_95] : memref<16x16xf32, #tpu.memory_space<vmem>>[vector<16xi32>, vector<16xi32>], vector<16xf32>,
      %add3A_97 = arith.addf %add3A_93, %gather3A_96 : vector<16xf32>
      %broadcast_in_dim3A_98 = arith.constant 12 : i32
      %broadcast_in_dim3A_99 = vector.broadcast %broadcast_in_dim3A_98 : i32 to vector<16xi32>
      %gather3A_100 = tpu.vector_load_idx %arg13[%iota3A, %broadcast_in_dim3A_99] : memref<16x16xf32, #tpu.memory_space<vmem>>[vector<16xi32>, vector<16xi32>], vector<16xf32>,
      %add3A_101 = arith.addf %add3A_97, %gather3A_100 : vector<16xf32>
      %broadcast_in_dim3A_102 = arith.constant 13 : i32
      %broadcast_in_dim3A_103 = vector.broadcast %broadcast_in_dim3A_102 : i32 to vector<16xi32>
      %gather3A_104 = tpu.vector_load_idx %arg13[%iota3A, %broadcast_in_dim3A_103] : memref<16x16xf32, #tpu.memory_space<vmem>>[vector<16xi32>, vector<16xi32>], vector<16xf32>,
      %add3A_105 = arith.addf %add3A_101, %gather3A_104 : vector<16xf32>
      %broadcast_in_dim3A_106 = arith.constant 14 : i32
      %broadcast_in_dim3A_107 = vector.broadcast %broadcast_in_dim3A_106 : i32 to vector<16xi32>
      %gather3A_108 = tpu.vector_load_idx %arg13[%iota3A, %broadcast_in_dim3A_107] : memref<16x16xf32, #tpu.memory_space<vmem>>[vector<16xi32>, vector<16xi32>], vector<16xf32>,
      %add3A_109 = arith.addf %add3A_105, %gather3A_108 : vector<16xf32>
      %broadcast_in_dim3A_110 = arith.constant 15 : i32
      %broadcast_in_dim3A_111 = vector.broadcast %broadcast_in_dim3A_110 : i32 to vector<16xi32>
      %gather3A_112 = tpu.vector_load_idx %arg13[%iota3A, %broadcast_in_dim3A_111] : memref<16x16xf32, #tpu.memory_space<vmem>>[vector<16xi32>, vector<16xi32>], vector<16xf32>,
      %add3A_113 = arith.addf %add3A_109, %gather3A_112 : vector<16xf32>
      %neg3A = arith.constant 0.000000e+00 : f32
      %neg3A_114 = vector.broadcast %neg3A : f32 to vector<16xf32>
      %neg3A_115 = arith.subf %neg3A_114, %add3A_113 : vector<16xf32>
      %exp3A = math.exp %neg3A_115 : vector<16xf32>
      %add3A_116 = arith.constant 1.000000e+00 : f32
      %add3A_117 = vector.broadcast %add3A_116 : f32 to vector<16xf32>
      %add3A_118 = arith.addf %add3A_117, %exp3A : vector<16xf32>
      %div3A = arith.constant 1.000000e+00 : f32
      %div3A_119 = vector.broadcast %div3A : f32 to vector<16xf32>
      %div3A_120 = arith.divf %div3A_119, %add3A_118 : vector<16xf32>
      %mul3A_121 = arith.constant 32 : i32
      %mul3A_122 = arith.muli %mul3A_19, %mul3A_121 : i32
      %add3A_123 = arith.constant 0 : i32
      %add3A_124 = arith.addi %mul3A_122, %add3A_123 : i32
      %swap3A = arith.index_cast %add3A_124 : i32 to index
      %swap3A_125 = tpu.vector_load %arg14[%swap3A] {strides = array<i32>} : memref<5120xf32, #tpu.memory_space<vmem>>, vector<16xf32>,
      tpu.vector_store %arg14[%swap3A], %div3A_120 {strides = array<i32>} : memref<5120xf32, #tpu.memory_space<vmem>>, vector<16xf32>,
      %scan3A_126 = arith.constant 0 : i32
      %scan3A_127 = arith.constant 0 : i32
      %scan3A_128 = arith.constant 16 : i32
      %scan3A_129 = arith.addi %scan3A_127, %scan3A_128 : i32
      %scan3A_130 = arith.constant 1 : i32
      scf.for %scan3A_397 = %scan3A_127 to %scan3A_129 step %scan3A_130  : i32 {
        %add3A_398 = arith.constant 16 : i32
        %add3A_399 = arith.addi %add3A_398, %scan3A_397 : i32
        %get3A = arith.index_cast %add3A_399 : i32 to index
        %get3A_400 = arith.constant 0 : index
        %get3A_401 = tpu.vector_load %arg9[%get3A, %get3A_400] {strides = array<i32>} : memref<32x512xf32, #tpu.memory_space<vmem>>, vector<16xf32>,
        %get3A_402 = arith.index_cast %add3A_399 : i32 to index
        %get3A_403 = arith.constant 0 : index
        %get3A_404 = tpu.vector_load %arg10[%get3A_402, %get3A_403] {strides = array<i32>} : memref<32x512xf32, #tpu.memory_space<vmem>>, vector<16xf32>,
        %mul3A_405 = arith.mulf %get3A_401, %get3A_404 : vector<16xf32>
        %get3A_406 = arith.index_cast %add3A_399 : i32 to index
        %get3A_407 = arith.constant 16 : index
        %get3A_408 = tpu.vector_load %arg9[%get3A_406, %get3A_407] {strides = array<i32>} : memref<32x512xf32, #tpu.memory_space<vmem>>, vector<16xf32>,
        %get3A_409 = arith.index_cast %add3A_399 : i32 to index
        %get3A_410 = arith.constant 16 : index
        %get3A_411 = tpu.vector_load %arg10[%get3A_409, %get3A_410] {strides = array<i32>} : memref<32x512xf32, #tpu.memory_space<vmem>>, vector<16xf32>,
        %mul3A_412 = arith.mulf %get3A_408, %get3A_411 : vector<16xf32>
        %get3A_413 = arith.index_cast %add3A_399 : i32 to index
        %get3A_414 = arith.constant 32 : index
        %get3A_415 = tpu.vector_load %arg9[%get3A_413, %get3A_414] {strides = array<i32>} : memref<32x512xf32, #tpu.memory_space<vmem>>, vector<16xf32>,
        %get3A_416 = arith.index_cast %add3A_399 : i32 to index
        %get3A_417 = arith.constant 32 : index
        %get3A_418 = tpu.vector_load %arg10[%get3A_416, %get3A_417] {strides = array<i32>} : memref<32x512xf32, #tpu.memory_space<vmem>>, vector<16xf32>,
        %mul3A_419 = arith.mulf %get3A_415, %get3A_418 : vector<16xf32>
        %get3A_420 = arith.index_cast %add3A_399 : i32 to index
        %get3A_421 = arith.constant 48 : index
        %get3A_422 = tpu.vector_load %arg9[%get3A_420, %get3A_421] {strides = array<i32>} : memref<32x512xf32, #tpu.memory_space<vmem>>, vector<16xf32>,
        %get3A_423 = arith.index_cast %add3A_399 : i32 to index
        %get3A_424 = arith.constant 48 : index
        %get3A_425 = tpu.vector_load %arg10[%get3A_423, %get3A_424] {strides = array<i32>} : memref<32x512xf32, #tpu.memory_space<vmem>>, vector<16xf32>,
        %mul3A_426 = arith.mulf %get3A_422, %get3A_425 : vector<16xf32>
        %get3A_427 = arith.index_cast %add3A_399 : i32 to index
        %get3A_428 = arith.constant 64 : index
        %get3A_429 = tpu.vector_load %arg9[%get3A_427, %get3A_428] {strides = array<i32>} : memref<32x512xf32, #tpu.memory_space<vmem>>, vector<16xf32>,
        %get3A_430 = arith.index_cast %add3A_399 : i32 to index
        %get3A_431 = arith.constant 64 : index
        %get3A_432 = tpu.vector_load %arg10[%get3A_430, %get3A_431] {strides = array<i32>} : memref<32x512xf32, #tpu.memory_space<vmem>>, vector<16xf32>,
        %mul3A_433 = arith.mulf %get3A_429, %get3A_432 : vector<16xf32>
        %add3A_434 = arith.addf %mul3A_405, %mul3A_433 : vector<16xf32>
        %get3A_435 = arith.index_cast %add3A_399 : i32 to index
        %get3A_436 = arith.constant 80 : index
        %get3A_437 = tpu.vector_load %arg9[%get3A_435, %get3A_436] {strides = array<i32>} : memref<32x512xf32, #tpu.memory_space<vmem>>, vector<16xf32>,
        %get3A_438 = arith.index_cast %add3A_399 : i32 to index
        %get3A_439 = arith.constant 80 : index
        %get3A_440 = tpu.vector_load %arg10[%get3A_438, %get3A_439] {strides = array<i32>} : memref<32x512xf32, #tpu.memory_space<vmem>>, vector<16xf32>,
        %mul3A_441 = arith.mulf %get3A_437, %get3A_440 : vector<16xf32>
        %add3A_442 = arith.addf %mul3A_412, %mul3A_441 : vector<16xf32>
        %get3A_443 = arith.index_cast %add3A_399 : i32 to index
        %get3A_444 = arith.constant 96 : index
        %get3A_445 = tpu.vector_load %arg9[%get3A_443, %get3A_444] {strides = array<i32>} : memref<32x512xf32, #tpu.memory_space<vmem>>, vector<16xf32>,
        %get3A_446 = arith.index_cast %add3A_399 : i32 to index
        %get3A_447 = arith.constant 96 : index
        %get3A_448 = tpu.vector_load %arg10[%get3A_446, %get3A_447] {strides = array<i32>} : memref<32x512xf32, #tpu.memory_space<vmem>>, vector<16xf32>,
        %mul3A_449 = arith.mulf %get3A_445, %get3A_448 : vector<16xf32>
        %add3A_450 = arith.addf %mul3A_419, %mul3A_449 : vector<16xf32>
        %get3A_451 = arith.index_cast %add3A_399 : i32 to index
        %get3A_452 = arith.constant 112 : index
        %get3A_453 = tpu.vector_load %arg9[%get3A_451, %get3A_452] {strides = array<i32>} : memref<32x512xf32, #tpu.memory_space<vmem>>, vector<16xf32>,
        %get3A_454 = arith.index_cast %add3A_399 : i32 to index
        %get3A_455 = arith.constant 112 : index
        %get3A_456 = tpu.vector_load %arg10[%get3A_454, %get3A_455] {strides = array<i32>} : memref<32x512xf32, #tpu.memory_space<vmem>>, vector<16xf32>,
        %mul3A_457 = arith.mulf %get3A_453, %get3A_456 : vector<16xf32>
        %add3A_458 = arith.addf %mul3A_426, %mul3A_457 : vector<16xf32>
        %add3A_459 = arith.addf %add3A_434, %add3A_442 : vector<16xf32>
        %add3A_460 = arith.addf %add3A_450, %add3A_458 : vector<16xf32>
        %add3A_461 = arith.addf %add3A_459, %add3A_460 : vector<16xf32>
        %swap3A_462 = arith.index_cast %scan3A_397 : i32 to index
        %swap3A_463 = arith.constant 0 : index
        %swap3A_464 = tpu.vector_load %arg13[%swap3A_462, %swap3A_463] {strides = array<i32>} : memref<16x16xf32, #tpu.memory_space<vmem>>, vector<16xf32>,
        tpu.vector_store %arg13[%swap3A_462, %swap3A_463], %add3A_461 {strides = array<i32>} : memref<16x16xf32, #tpu.memory_space<vmem>>, vector<16xf32>,
      }
      %scan3A_131 = arith.constant 16 : i32
      %broadcast_in_dim3A_132 = arith.constant 0 : i32
      %broadcast_in_dim3A_133 = vector.broadcast %broadcast_in_dim3A_132 : i32 to vector<16xi32>
      %gather3A_134 = tpu.vector_load_idx %arg13[%iota3A, %broadcast_in_dim3A_133] : memref<16x16xf32, #tpu.memory_space<vmem>>[vector<16xi32>, vector<16xi32>], vector<16xf32>,
      %broadcast_in_dim3A_135 = arith.constant 1 : i32
      %broadcast_in_dim3A_136 = vector.broadcast %broadcast_in_dim3A_135 : i32 to vector<16xi32>
      %gather3A_137 = tpu.vector_load_idx %arg13[%iota3A, %broadcast_in_dim3A_136] : memref<16x16xf32, #tpu.memory_space<vmem>>[vector<16xi32>, vector<16xi32>], vector<16xf32>,
      %add3A_138 = arith.addf %gather3A_134, %gather3A_137 : vector<16xf32>
      %broadcast_in_dim3A_139 = arith.constant 2 : i32
      %broadcast_in_dim3A_140 = vector.broadcast %broadcast_in_dim3A_139 : i32 to vector<16xi32>
      %gather3A_141 = tpu.vector_load_idx %arg13[%iota3A, %broadcast_in_dim3A_140] : memref<16x16xf32, #tpu.memory_space<vmem>>[vector<16xi32>, vector<16xi32>], vector<16xf32>,
      %add3A_142 = arith.addf %add3A_138, %gather3A_141 : vector<16xf32>
      %broadcast_in_dim3A_143 = arith.constant 3 : i32
      %broadcast_in_dim3A_144 = vector.broadcast %broadcast_in_dim3A_143 : i32 to vector<16xi32>
      %gather3A_145 = tpu.vector_load_idx %arg13[%iota3A, %broadcast_in_dim3A_144] : memref<16x16xf32, #tpu.memory_space<vmem>>[vector<16xi32>, vector<16xi32>], vector<16xf32>,
      %add3A_146 = arith.addf %add3A_142, %gather3A_145 : vector<16xf32>
      %broadcast_in_dim3A_147 = arith.constant 4 : i32
      %broadcast_in_dim3A_148 = vector.broadcast %broadcast_in_dim3A_147 : i32 to vector<16xi32>
      %gather3A_149 = tpu.vector_load_idx %arg13[%iota3A, %broadcast_in_dim3A_148] : memref<16x16xf32, #tpu.memory_space<vmem>>[vector<16xi32>, vector<16xi32>], vector<16xf32>,
      %add3A_150 = arith.addf %add3A_146, %gather3A_149 : vector<16xf32>
      %broadcast_in_dim3A_151 = arith.constant 5 : i32
      %broadcast_in_dim3A_152 = vector.broadcast %broadcast_in_dim3A_151 : i32 to vector<16xi32>
      %gather3A_153 = tpu.vector_load_idx %arg13[%iota3A, %broadcast_in_dim3A_152] : memref<16x16xf32, #tpu.memory_space<vmem>>[vector<16xi32>, vector<16xi32>], vector<16xf32>,
      %add3A_154 = arith.addf %add3A_150, %gather3A_153 : vector<16xf32>
      %broadcast_in_dim3A_155 = arith.constant 6 : i32
      %broadcast_in_dim3A_156 = vector.broadcast %broadcast_in_dim3A_155 : i32 to vector<16xi32>
      %gather3A_157 = tpu.vector_load_idx %arg13[%iota3A, %broadcast_in_dim3A_156] : memref<16x16xf32, #tpu.memory_space<vmem>>[vector<16xi32>, vector<16xi32>], vector<16xf32>,
      %add3A_158 = arith.addf %add3A_154, %gather3A_157 : vector<16xf32>
      %broadcast_in_dim3A_159 = arith.constant 7 : i32
      %broadcast_in_dim3A_160 = vector.broadcast %broadcast_in_dim3A_159 : i32 to vector<16xi32>
      %gather3A_161 = tpu.vector_load_idx %arg13[%iota3A, %broadcast_in_dim3A_160] : memref<16x16xf32, #tpu.memory_space<vmem>>[vector<16xi32>, vector<16xi32>], vector<16xf32>,
      %add3A_162 = arith.addf %add3A_158, %gather3A_161 : vector<16xf32>
      %broadcast_in_dim3A_163 = arith.constant 8 : i32
      %broadcast_in_dim3A_164 = vector.broadcast %broadcast_in_dim3A_163 : i32 to vector<16xi32>
      %gather3A_165 = tpu.vector_load_idx %arg13[%iota3A, %broadcast_in_dim3A_164] : memref<16x16xf32, #tpu.memory_space<vmem>>[vector<16xi32>, vector<16xi32>], vector<16xf32>,
      %add3A_166 = arith.addf %add3A_162, %gather3A_165 : vector<16xf32>
      %broadcast_in_dim3A_167 = arith.constant 9 : i32
      %broadcast_in_dim3A_168 = vector.broadcast %broadcast_in_dim3A_167 : i32 to vector<16xi32>
      %gather3A_169 = tpu.vector_load_idx %arg13[%iota3A, %broadcast_in_dim3A_168] : memref<16x16xf32, #tpu.memory_space<vmem>>[vector<16xi32>, vector<16xi32>], vector<16xf32>,
      %add3A_170 = arith.addf %add3A_166, %gather3A_169 : vector<16xf32>
      %broadcast_in_dim3A_171 = arith.constant 10 : i32
      %broadcast_in_dim3A_172 = vector.broadcast %broadcast_in_dim3A_171 : i32 to vector<16xi32>
      %gather3A_173 = tpu.vector_load_idx %arg13[%iota3A, %broadcast_in_dim3A_172] : memref<16x16xf32, #tpu.memory_space<vmem>>[vector<16xi32>, vector<16xi32>], vector<16xf32>,
      %add3A_174 = arith.addf %add3A_170, %gather3A_173 : vector<16xf32>
      %broadcast_in_dim3A_175 = arith.constant 11 : i32
      %broadcast_in_dim3A_176 = vector.broadcast %broadcast_in_dim3A_175 : i32 to vector<16xi32>
      %gather3A_177 = tpu.vector_load_idx %arg13[%iota3A, %broadcast_in_dim3A_176] : memref<16x16xf32, #tpu.memory_space<vmem>>[vector<16xi32>, vector<16xi32>], vector<16xf32>,
      %add3A_178 = arith.addf %add3A_174, %gather3A_177 : vector<16xf32>
      %broadcast_in_dim3A_179 = arith.constant 12 : i32
      %broadcast_in_dim3A_180 = vector.broadcast %broadcast_in_dim3A_179 : i32 to vector<16xi32>
      %gather3A_181 = tpu.vector_load_idx %arg13[%iota3A, %broadcast_in_dim3A_180] : memref<16x16xf32, #tpu.memory_space<vmem>>[vector<16xi32>, vector<16xi32>], vector<16xf32>,
      %add3A_182 = arith.addf %add3A_178, %gather3A_181 : vector<16xf32>
      %broadcast_in_dim3A_183 = arith.constant 13 : i32
      %broadcast_in_dim3A_184 = vector.broadcast %broadcast_in_dim3A_183 : i32 to vector<16xi32>
      %gather3A_185 = tpu.vector_load_idx %arg13[%iota3A, %broadcast_in_dim3A_184] : memref<16x16xf32, #tpu.memory_space<vmem>>[vector<16xi32>, vector<16xi32>], vector<16xf32>,
      %add3A_186 = arith.addf %add3A_182, %gather3A_185 : vector<16xf32>
      %broadcast_in_dim3A_187 = arith.constant 14 : i32
      %broadcast_in_dim3A_188 = vector.broadcast %broadcast_in_dim3A_187 : i32 to vector<16xi32>
      %gather3A_189 = tpu.vector_load_idx %arg13[%iota3A, %broadcast_in_dim3A_188] : memref<16x16xf32, #tpu.memory_space<vmem>>[vector<16xi32>, vector<16xi32>], vector<16xf32>,
      %add3A_190 = arith.addf %add3A_186, %gather3A_189 : vector<16xf32>
      %broadcast_in_dim3A_191 = arith.constant 15 : i32
      %broadcast_in_dim3A_192 = vector.broadcast %broadcast_in_dim3A_191 : i32 to vector<16xi32>
      %gather3A_193 = tpu.vector_load_idx %arg13[%iota3A, %broadcast_in_dim3A_192] : memref<16x16xf32, #tpu.memory_space<vmem>>[vector<16xi32>, vector<16xi32>], vector<16xf32>,
      %add3A_194 = arith.addf %add3A_190, %gather3A_193 : vector<16xf32>
      %neg3A_195 = arith.constant 0.000000e+00 : f32
      %neg3A_196 = vector.broadcast %neg3A_195 : f32 to vector<16xf32>
      %neg3A_197 = arith.subf %neg3A_196, %add3A_194 : vector<16xf32>
      %exp3A_198 = math.exp %neg3A_197 : vector<16xf32>
      %add3A_199 = arith.constant 1.000000e+00 : f32
      %add3A_200 = vector.broadcast %add3A_199 : f32 to vector<16xf32>
      %add3A_201 = arith.addf %add3A_200, %exp3A_198 : vector<16xf32>
      %div3A_202 = arith.constant 1.000000e+00 : f32
      %div3A_203 = vector.broadcast %div3A_202 : f32 to vector<16xf32>
      %div3A_204 = arith.divf %div3A_203, %add3A_201 : vector<16xf32>
      %mul3A_205 = arith.constant 32 : i32
      %mul3A_206 = arith.muli %mul3A_19, %mul3A_205 : i32
      %add3A_207 = arith.constant 16 : i32
      %add3A_208 = arith.addi %mul3A_206, %add3A_207 : i32
      %swap3A_209 = arith.index_cast %add3A_208 : i32 to index
      %swap3A_210 = tpu.vector_load %arg14[%swap3A_209] {strides = array<i32>} : memref<5120xf32, #tpu.memory_space<vmem>>, vector<16xf32>,
      tpu.vector_store %arg14[%swap3A_209], %div3A_204 {strides = array<i32>} : memref<5120xf32, #tpu.memory_space<vmem>>, vector<16xf32>,
      %add3A_211 = arith.constant 1 : i32
      %add3A_212 = arith.addi %add3A_23, %add3A_211 : i32
      %lt3A = arith.constant 160 : i32
      %lt3A_213 = arith.cmpi slt, %add3A_212, %lt3A : i32
      %convert_element_type3A = arith.extui %lt3A_213 : i1 to i32
      %cond3A = arith.constant 0 : i32
      %cond3A_214 = arith.cmpi ne, %convert_element_type3A, %cond3A : i32
      scf.if %cond3A_214 {
        %add3A_397 = arith.constant 1 : i32
        %add3A_398 = arith.addi %add3A_23, %add3A_397 : i32
        %mul3A_399 = arith.constant 32 : i32
        %mul3A_400 = arith.muli %add3A_398, %mul3A_399 : i32
        %dma_start3A_401 = tpu.memref_slice %arg7[%mul3A_400] : memref<5120xi32, #tpu.memory_space<vmem>> -> memref<32xi32, #tpu.memory_space<vmem>>
        %dma_start3A_402 = arith.constant 0 : i32
        %dma_start3A_403 = arith.constant 0 : i32
        %dma_start3A_404 = tpu.memref_slice %arg2[%dma_start3A_402, %dma_start3A_403] : memref<10000x512xf32, #tpu.memory_space<hbm>> -> memref<10000x512xf32, #tpu.memory_space<hbm>>
        tpu.enqueue_indirect_dma source(%dma_start3A_404 : memref<10000x512xf32, #tpu.memory_space<hbm>>) target(%arg9 : memref<32x512xf32, #tpu.memory_space<vmem>>) offsets(%dma_start3A_401 : memref<32xi32, #tpu.memory_space<vmem>>) semaphore(%arg15 : memref<!tpu.dma_semaphore, #tpu.memory_space<semaphore_mem>>)
        %mul3A_405 = arith.constant 32 : i32
        %mul3A_406 = arith.muli %add3A_398, %mul3A_405 : i32
        %dma_start3A_407 = tpu.memref_slice %arg8[%mul3A_406] : memref<5120xi32, #tpu.memory_space<vmem>> -> memref<32xi32, #tpu.memory_space<vmem>>
        %dma_start3A_408 = arith.constant 0 : i32
        %dma_start3A_409 = arith.constant 0 : i32
        %dma_start3A_410 = tpu.memref_slice %arg3[%dma_start3A_408, %dma_start3A_409] : memref<10000x512xf32, #tpu.memory_space<hbm>> -> memref<10000x512xf32, #tpu.memory_space<hbm>>
        tpu.enqueue_indirect_dma source(%dma_start3A_410 : memref<10000x512xf32, #tpu.memory_space<hbm>>) target(%arg10 : memref<32x512xf32, #tpu.memory_space<vmem>>) offsets(%dma_start3A_407 : memref<32xi32, #tpu.memory_space<vmem>>) semaphore(%arg16 : memref<!tpu.dma_semaphore, #tpu.memory_space<semaphore_mem>>)
      } else {
      }
      %dma_wait3A_215 = arith.constant 0 : i32
      %dma_wait3A_216 = arith.constant 0 : i32
      %dma_wait3A_217 = tpu.memref_slice %arg2[%dma_wait3A_215, %dma_wait3A_216] : memref<10000x512xf32, #tpu.memory_space<hbm>> -> memref<32x512xf32, #tpu.memory_space<hbm>>
      %dma_wait3A_218 = arith.constant 0 : i32
      %dma_wait3A_219 = arith.constant 0 : i32
      %dma_wait3A_220 = tpu.memref_slice %arg2[%dma_wait3A_218, %dma_wait3A_219] : memref<10000x512xf32, #tpu.memory_space<hbm>> -> memref<32x512xf32, #tpu.memory_space<hbm>>
      tpu.wait_dma2 semaphore(%arg17 : memref<!tpu.dma_semaphore, #tpu.memory_space<semaphore_mem>>) src(%dma_wait3A_220 : memref<32x512xf32, #tpu.memory_space<hbm>>) dst(%arg11 : memref<32x512xf32, #tpu.memory_space<vmem>>)
      %dma_wait3A_221 = arith.constant 0 : i32
      %dma_wait3A_222 = arith.constant 0 : i32
      %dma_wait3A_223 = tpu.memref_slice %arg3[%dma_wait3A_221, %dma_wait3A_222] : memref<10000x512xf32, #tpu.memory_space<hbm>> -> memref<32x512xf32, #tpu.memory_space<hbm>>
      %dma_wait3A_224 = arith.constant 0 : i32
      %dma_wait3A_225 = arith.constant 0 : i32
      %dma_wait3A_226 = tpu.memref_slice %arg3[%dma_wait3A_224, %dma_wait3A_225] : memref<10000x512xf32, #tpu.memory_space<hbm>> -> memref<32x512xf32, #tpu.memory_space<hbm>>
      tpu.wait_dma2 semaphore(%arg18 : memref<!tpu.dma_semaphore, #tpu.memory_space<semaphore_mem>>) src(%dma_wait3A_226 : memref<32x512xf32, #tpu.memory_space<hbm>>) dst(%arg12 : memref<32x512xf32, #tpu.memory_space<vmem>>)
      %scan3A_227 = arith.constant 0 : i32
      %scan3A_228 = arith.constant 0 : i32
      %scan3A_229 = arith.constant 16 : i32
      %scan3A_230 = arith.addi %scan3A_228, %scan3A_229 : i32
      %scan3A_231 = arith.constant 1 : i32
      scf.for %scan3A_397 = %scan3A_228 to %scan3A_230 step %scan3A_231  : i32 {
        %add3A_398 = arith.constant 0 : i32
        %add3A_399 = arith.addi %add3A_398, %scan3A_397 : i32
        %get3A = arith.index_cast %add3A_399 : i32 to index
        %get3A_400 = arith.constant 0 : index
        %get3A_401 = tpu.vector_load %arg11[%get3A, %get3A_400] {strides = array<i32>} : memref<32x512xf32, #tpu.memory_space<vmem>>, vector<16xf32>,
        %get3A_402 = arith.index_cast %add3A_399 : i32 to index
        %get3A_403 = arith.constant 0 : index
        %get3A_404 = tpu.vector_load %arg12[%get3A_402, %get3A_403] {strides = array<i32>} : memref<32x512xf32, #tpu.memory_space<vmem>>, vector<16xf32>,
        %mul3A_405 = arith.mulf %get3A_401, %get3A_404 : vector<16xf32>
        %get3A_406 = arith.index_cast %add3A_399 : i32 to index
        %get3A_407 = arith.constant 16 : index
        %get3A_408 = tpu.vector_load %arg11[%get3A_406, %get3A_407] {strides = array<i32>} : memref<32x512xf32, #tpu.memory_space<vmem>>, vector<16xf32>,
        %get3A_409 = arith.index_cast %add3A_399 : i32 to index
        %get3A_410 = arith.constant 16 : index
        %get3A_411 = tpu.vector_load %arg12[%get3A_409, %get3A_410] {strides = array<i32>} : memref<32x512xf32, #tpu.memory_space<vmem>>, vector<16xf32>,
        %mul3A_412 = arith.mulf %get3A_408, %get3A_411 : vector<16xf32>
        %get3A_413 = arith.index_cast %add3A_399 : i32 to index
        %get3A_414 = arith.constant 32 : index
        %get3A_415 = tpu.vector_load %arg11[%get3A_413, %get3A_414] {strides = array<i32>} : memref<32x512xf32, #tpu.memory_space<vmem>>, vector<16xf32>,
        %get3A_416 = arith.index_cast %add3A_399 : i32 to index
        %get3A_417 = arith.constant 32 : index
        %get3A_418 = tpu.vector_load %arg12[%get3A_416, %get3A_417] {strides = array<i32>} : memref<32x512xf32, #tpu.memory_space<vmem>>, vector<16xf32>,
        %mul3A_419 = arith.mulf %get3A_415, %get3A_418 : vector<16xf32>
        %get3A_420 = arith.index_cast %add3A_399 : i32 to index
        %get3A_421 = arith.constant 48 : index
        %get3A_422 = tpu.vector_load %arg11[%get3A_420, %get3A_421] {strides = array<i32>} : memref<32x512xf32, #tpu.memory_space<vmem>>, vector<16xf32>,
        %get3A_423 = arith.index_cast %add3A_399 : i32 to index
        %get3A_424 = arith.constant 48 : index
        %get3A_425 = tpu.vector_load %arg12[%get3A_423, %get3A_424] {strides = array<i32>} : memref<32x512xf32, #tpu.memory_space<vmem>>, vector<16xf32>,
        %mul3A_426 = arith.mulf %get3A_422, %get3A_425 : vector<16xf32>
        %get3A_427 = arith.index_cast %add3A_399 : i32 to index
        %get3A_428 = arith.constant 64 : index
        %get3A_429 = tpu.vector_load %arg11[%get3A_427, %get3A_428] {strides = array<i32>} : memref<32x512xf32, #tpu.memory_space<vmem>>, vector<16xf32>,
        %get3A_430 = arith.index_cast %add3A_399 : i32 to index
        %get3A_431 = arith.constant 64 : index
        %get3A_432 = tpu.vector_load %arg12[%get3A_430, %get3A_431] {strides = array<i32>} : memref<32x512xf32, #tpu.memory_space<vmem>>, vector<16xf32>,
        %mul3A_433 = arith.mulf %get3A_429, %get3A_432 : vector<16xf32>
        %add3A_434 = arith.addf %mul3A_405, %mul3A_433 : vector<16xf32>
        %get3A_435 = arith.index_cast %add3A_399 : i32 to index
        %get3A_436 = arith.constant 80 : index
        %get3A_437 = tpu.vector_load %arg11[%get3A_435, %get3A_436] {strides = array<i32>} : memref<32x512xf32, #tpu.memory_space<vmem>>, vector<16xf32>,
        %get3A_438 = arith.index_cast %add3A_399 : i32 to index
        %get3A_439 = arith.constant 80 : index
        %get3A_440 = tpu.vector_load %arg12[%get3A_438, %get3A_439] {strides = array<i32>} : memref<32x512xf32, #tpu.memory_space<vmem>>, vector<16xf32>,
        %mul3A_441 = arith.mulf %get3A_437, %get3A_440 : vector<16xf32>
        %add3A_442 = arith.addf %mul3A_412, %mul3A_441 : vector<16xf32>
        %get3A_443 = arith.index_cast %add3A_399 : i32 to index
        %get3A_444 = arith.constant 96 : index
        %get3A_445 = tpu.vector_load %arg11[%get3A_443, %get3A_444] {strides = array<i32>} : memref<32x512xf32, #tpu.memory_space<vmem>>, vector<16xf32>,
        %get3A_446 = arith.index_cast %add3A_399 : i32 to index
        %get3A_447 = arith.constant 96 : index
        %get3A_448 = tpu.vector_load %arg12[%get3A_446, %get3A_447] {strides = array<i32>} : memref<32x512xf32, #tpu.memory_space<vmem>>, vector<16xf32>,
        %mul3A_449 = arith.mulf %get3A_445, %get3A_448 : vector<16xf32>
        %add3A_450 = arith.addf %mul3A_419, %mul3A_449 : vector<16xf32>
        %get3A_451 = arith.index_cast %add3A_399 : i32 to index
        %get3A_452 = arith.constant 112 : index
        %get3A_453 = tpu.vector_load %arg11[%get3A_451, %get3A_452] {strides = array<i32>} : memref<32x512xf32, #tpu.memory_space<vmem>>, vector<16xf32>,
        %get3A_454 = arith.index_cast %add3A_399 : i32 to index
        %get3A_455 = arith.constant 112 : index
        %get3A_456 = tpu.vector_load %arg12[%get3A_454, %get3A_455] {strides = array<i32>} : memref<32x512xf32, #tpu.memory_space<vmem>>, vector<16xf32>,
        %mul3A_457 = arith.mulf %get3A_453, %get3A_456 : vector<16xf32>
        %add3A_458 = arith.addf %mul3A_426, %mul3A_457 : vector<16xf32>
        %add3A_459 = arith.addf %add3A_434, %add3A_442 : vector<16xf32>
        %add3A_460 = arith.addf %add3A_450, %add3A_458 : vector<16xf32>
        %add3A_461 = arith.addf %add3A_459, %add3A_460 : vector<16xf32>
        %swap3A_462 = arith.index_cast %scan3A_397 : i32 to index
        %swap3A_463 = arith.constant 0 : index
        %swap3A_464 = tpu.vector_load %arg13[%swap3A_462, %swap3A_463] {strides = array<i32>} : memref<16x16xf32, #tpu.memory_space<vmem>>, vector<16xf32>,
        tpu.vector_store %arg13[%swap3A_462, %swap3A_463], %add3A_461 {strides = array<i32>} : memref<16x16xf32, #tpu.memory_space<vmem>>, vector<16xf32>,
      }
      %scan3A_232 = arith.constant 16 : i32
      %broadcast_in_dim3A_233 = arith.constant 0 : i32
      %broadcast_in_dim3A_234 = vector.broadcast %broadcast_in_dim3A_233 : i32 to vector<16xi32>
      %gather3A_235 = tpu.vector_load_idx %arg13[%iota3A, %broadcast_in_dim3A_234] : memref<16x16xf32, #tpu.memory_space<vmem>>[vector<16xi32>, vector<16xi32>], vector<16xf32>,
      %broadcast_in_dim3A_236 = arith.constant 1 : i32
      %broadcast_in_dim3A_237 = vector.broadcast %broadcast_in_dim3A_236 : i32 to vector<16xi32>
      %gather3A_238 = tpu.vector_load_idx %arg13[%iota3A, %broadcast_in_dim3A_237] : memref<16x16xf32, #tpu.memory_space<vmem>>[vector<16xi32>, vector<16xi32>], vector<16xf32>,
      %add3A_239 = arith.addf %gather3A_235, %gather3A_238 : vector<16xf32>
      %broadcast_in_dim3A_240 = arith.constant 2 : i32
      %broadcast_in_dim3A_241 = vector.broadcast %broadcast_in_dim3A_240 : i32 to vector<16xi32>
      %gather3A_242 = tpu.vector_load_idx %arg13[%iota3A, %broadcast_in_dim3A_241] : memref<16x16xf32, #tpu.memory_space<vmem>>[vector<16xi32>, vector<16xi32>], vector<16xf32>,
      %add3A_243 = arith.addf %add3A_239, %gather3A_242 : vector<16xf32>
      %broadcast_in_dim3A_244 = arith.constant 3 : i32
      %broadcast_in_dim3A_245 = vector.broadcast %broadcast_in_dim3A_244 : i32 to vector<16xi32>
      %gather3A_246 = tpu.vector_load_idx %arg13[%iota3A, %broadcast_in_dim3A_245] : memref<16x16xf32, #tpu.memory_space<vmem>>[vector<16xi32>, vector<16xi32>], vector<16xf32>,
      %add3A_247 = arith.addf %add3A_243, %gather3A_246 : vector<16xf32>
      %broadcast_in_dim3A_248 = arith.constant 4 : i32
      %broadcast_in_dim3A_249 = vector.broadcast %broadcast_in_dim3A_248 : i32 to vector<16xi32>
      %gather3A_250 = tpu.vector_load_idx %arg13[%iota3A, %broadcast_in_dim3A_249] : memref<16x16xf32, #tpu.memory_space<vmem>>[vector<16xi32>, vector<16xi32>], vector<16xf32>,
      %add3A_251 = arith.addf %add3A_247, %gather3A_250 : vector<16xf32>
      %broadcast_in_dim3A_252 = arith.constant 5 : i32
      %broadcast_in_dim3A_253 = vector.broadcast %broadcast_in_dim3A_252 : i32 to vector<16xi32>
      %gather3A_254 = tpu.vector_load_idx %arg13[%iota3A, %broadcast_in_dim3A_253] : memref<16x16xf32, #tpu.memory_space<vmem>>[vector<16xi32>, vector<16xi32>], vector<16xf32>,
      %add3A_255 = arith.addf %add3A_251, %gather3A_254 : vector<16xf32>
      %broadcast_in_dim3A_256 = arith.constant 6 : i32
      %broadcast_in_dim3A_257 = vector.broadcast %broadcast_in_dim3A_256 : i32 to vector<16xi32>
      %gather3A_258 = tpu.vector_load_idx %arg13[%iota3A, %broadcast_in_dim3A_257] : memref<16x16xf32, #tpu.memory_space<vmem>>[vector<16xi32>, vector<16xi32>], vector<16xf32>,
      %add3A_259 = arith.addf %add3A_255, %gather3A_258 : vector<16xf32>
      %broadcast_in_dim3A_260 = arith.constant 7 : i32
      %broadcast_in_dim3A_261 = vector.broadcast %broadcast_in_dim3A_260 : i32 to vector<16xi32>
      %gather3A_262 = tpu.vector_load_idx %arg13[%iota3A, %broadcast_in_dim3A_261] : memref<16x16xf32, #tpu.memory_space<vmem>>[vector<16xi32>, vector<16xi32>], vector<16xf32>,
      %add3A_263 = arith.addf %add3A_259, %gather3A_262 : vector<16xf32>
      %broadcast_in_dim3A_264 = arith.constant 8 : i32
      %broadcast_in_dim3A_265 = vector.broadcast %broadcast_in_dim3A_264 : i32 to vector<16xi32>
      %gather3A_266 = tpu.vector_load_idx %arg13[%iota3A, %broadcast_in_dim3A_265] : memref<16x16xf32, #tpu.memory_space<vmem>>[vector<16xi32>, vector<16xi32>], vector<16xf32>,
      %add3A_267 = arith.addf %add3A_263, %gather3A_266 : vector<16xf32>
      %broadcast_in_dim3A_268 = arith.constant 9 : i32
      %broadcast_in_dim3A_269 = vector.broadcast %broadcast_in_dim3A_268 : i32 to vector<16xi32>
      %gather3A_270 = tpu.vector_load_idx %arg13[%iota3A, %broadcast_in_dim3A_269] : memref<16x16xf32, #tpu.memory_space<vmem>>[vector<16xi32>, vector<16xi32>], vector<16xf32>,
      %add3A_271 = arith.addf %add3A_267, %gather3A_270 : vector<16xf32>
      %broadcast_in_dim3A_272 = arith.constant 10 : i32
      %broadcast_in_dim3A_273 = vector.broadcast %broadcast_in_dim3A_272 : i32 to vector<16xi32>
      %gather3A_274 = tpu.vector_load_idx %arg13[%iota3A, %broadcast_in_dim3A_273] : memref<16x16xf32, #tpu.memory_space<vmem>>[vector<16xi32>, vector<16xi32>], vector<16xf32>,
      %add3A_275 = arith.addf %add3A_271, %gather3A_274 : vector<16xf32>
      %broadcast_in_dim3A_276 = arith.constant 11 : i32
      %broadcast_in_dim3A_277 = vector.broadcast %broadcast_in_dim3A_276 : i32 to vector<16xi32>
      %gather3A_278 = tpu.vector_load_idx %arg13[%iota3A, %broadcast_in_dim3A_277] : memref<16x16xf32, #tpu.memory_space<vmem>>[vector<16xi32>, vector<16xi32>], vector<16xf32>,
      %add3A_279 = arith.addf %add3A_275, %gather3A_278 : vector<16xf32>
      %broadcast_in_dim3A_280 = arith.constant 12 : i32
      %broadcast_in_dim3A_281 = vector.broadcast %broadcast_in_dim3A_280 : i32 to vector<16xi32>
      %gather3A_282 = tpu.vector_load_idx %arg13[%iota3A, %broadcast_in_dim3A_281] : memref<16x16xf32, #tpu.memory_space<vmem>>[vector<16xi32>, vector<16xi32>], vector<16xf32>,
      %add3A_283 = arith.addf %add3A_279, %gather3A_282 : vector<16xf32>
      %broadcast_in_dim3A_284 = arith.constant 13 : i32
      %broadcast_in_dim3A_285 = vector.broadcast %broadcast_in_dim3A_284 : i32 to vector<16xi32>
      %gather3A_286 = tpu.vector_load_idx %arg13[%iota3A, %broadcast_in_dim3A_285] : memref<16x16xf32, #tpu.memory_space<vmem>>[vector<16xi32>, vector<16xi32>], vector<16xf32>,
      %add3A_287 = arith.addf %add3A_283, %gather3A_286 : vector<16xf32>
      %broadcast_in_dim3A_288 = arith.constant 14 : i32
      %broadcast_in_dim3A_289 = vector.broadcast %broadcast_in_dim3A_288 : i32 to vector<16xi32>
      %gather3A_290 = tpu.vector_load_idx %arg13[%iota3A, %broadcast_in_dim3A_289] : memref<16x16xf32, #tpu.memory_space<vmem>>[vector<16xi32>, vector<16xi32>], vector<16xf32>,
      %add3A_291 = arith.addf %add3A_287, %gather3A_290 : vector<16xf32>
      %broadcast_in_dim3A_292 = arith.constant 15 : i32
      %broadcast_in_dim3A_293 = vector.broadcast %broadcast_in_dim3A_292 : i32 to vector<16xi32>
      %gather3A_294 = tpu.vector_load_idx %arg13[%iota3A, %broadcast_in_dim3A_293] : memref<16x16xf32, #tpu.memory_space<vmem>>[vector<16xi32>, vector<16xi32>], vector<16xf32>,
      %add3A_295 = arith.addf %add3A_291, %gather3A_294 : vector<16xf32>
      %neg3A_296 = arith.constant 0.000000e+00 : f32
      %neg3A_297 = vector.broadcast %neg3A_296 : f32 to vector<16xf32>
      %neg3A_298 = arith.subf %neg3A_297, %add3A_295 : vector<16xf32>
      %exp3A_299 = math.exp %neg3A_298 : vector<16xf32>
      %add3A_300 = arith.constant 1.000000e+00 : f32
      %add3A_301 = vector.broadcast %add3A_300 : f32 to vector<16xf32>
      %add3A_302 = arith.addf %add3A_301, %exp3A_299 : vector<16xf32>
      %div3A_303 = arith.constant 1.000000e+00 : f32
      %div3A_304 = vector.broadcast %div3A_303 : f32 to vector<16xf32>
      %div3A_305 = arith.divf %div3A_304, %add3A_302 : vector<16xf32>
      %mul3A_306 = arith.constant 32 : i32
      %mul3A_307 = arith.muli %add3A_23, %mul3A_306 : i32
      %add3A_308 = arith.constant 0 : i32
      %add3A_309 = arith.addi %mul3A_307, %add3A_308 : i32
      %swap3A_310 = arith.index_cast %add3A_309 : i32 to index
      %swap3A_311 = tpu.vector_load %arg14[%swap3A_310] {strides = array<i32>} : memref<5120xf32, #tpu.memory_space<vmem>>, vector<16xf32>,
      tpu.vector_store %arg14[%swap3A_310], %div3A_305 {strides = array<i32>} : memref<5120xf32, #tpu.memory_space<vmem>>, vector<16xf32>,
      %scan3A_312 = arith.constant 0 : i32
      %scan3A_313 = arith.constant 0 : i32
      %scan3A_314 = arith.constant 16 : i32
      %scan3A_315 = arith.addi %scan3A_313, %scan3A_314 : i32
      %scan3A_316 = arith.constant 1 : i32
      scf.for %scan3A_397 = %scan3A_313 to %scan3A_315 step %scan3A_316  : i32 {
        %add3A_398 = arith.constant 16 : i32
        %add3A_399 = arith.addi %add3A_398, %scan3A_397 : i32
        %get3A = arith.index_cast %add3A_399 : i32 to index
        %get3A_400 = arith.constant 0 : index
        %get3A_401 = tpu.vector_load %arg11[%get3A, %get3A_400] {strides = array<i32>} : memref<32x512xf32, #tpu.memory_space<vmem>>, vector<16xf32>,
        %get3A_402 = arith.index_cast %add3A_399 : i32 to index
        %get3A_403 = arith.constant 0 : index
        %get3A_404 = tpu.vector_load %arg12[%get3A_402, %get3A_403] {strides = array<i32>} : memref<32x512xf32, #tpu.memory_space<vmem>>, vector<16xf32>,
        %mul3A_405 = arith.mulf %get3A_401, %get3A_404 : vector<16xf32>
        %get3A_406 = arith.index_cast %add3A_399 : i32 to index
        %get3A_407 = arith.constant 16 : index
        %get3A_408 = tpu.vector_load %arg11[%get3A_406, %get3A_407] {strides = array<i32>} : memref<32x512xf32, #tpu.memory_space<vmem>>, vector<16xf32>,
        %get3A_409 = arith.index_cast %add3A_399 : i32 to index
        %get3A_410 = arith.constant 16 : index
        %get3A_411 = tpu.vector_load %arg12[%get3A_409, %get3A_410] {strides = array<i32>} : memref<32x512xf32, #tpu.memory_space<vmem>>, vector<16xf32>,
        %mul3A_412 = arith.mulf %get3A_408, %get3A_411 : vector<16xf32>
        %get3A_413 = arith.index_cast %add3A_399 : i32 to index
        %get3A_414 = arith.constant 32 : index
        %get3A_415 = tpu.vector_load %arg11[%get3A_413, %get3A_414] {strides = array<i32>} : memref<32x512xf32, #tpu.memory_space<vmem>>, vector<16xf32>,
        %get3A_416 = arith.index_cast %add3A_399 : i32 to index
        %get3A_417 = arith.constant 32 : index
        %get3A_418 = tpu.vector_load %arg12[%get3A_416, %get3A_417] {strides = array<i32>} : memref<32x512xf32, #tpu.memory_space<vmem>>, vector<16xf32>,
        %mul3A_419 = arith.mulf %get3A_415, %get3A_418 : vector<16xf32>
        %get3A_420 = arith.index_cast %add3A_399 : i32 to index
        %get3A_421 = arith.constant 48 : index
        %get3A_422 = tpu.vector_load %arg11[%get3A_420, %get3A_421] {strides = array<i32>} : memref<32x512xf32, #tpu.memory_space<vmem>>, vector<16xf32>,
        %get3A_423 = arith.index_cast %add3A_399 : i32 to index
        %get3A_424 = arith.constant 48 : index
        %get3A_425 = tpu.vector_load %arg12[%get3A_423, %get3A_424] {strides = array<i32>} : memref<32x512xf32, #tpu.memory_space<vmem>>, vector<16xf32>,
        %mul3A_426 = arith.mulf %get3A_422, %get3A_425 : vector<16xf32>
        %get3A_427 = arith.index_cast %add3A_399 : i32 to index
        %get3A_428 = arith.constant 64 : index
        %get3A_429 = tpu.vector_load %arg11[%get3A_427, %get3A_428] {strides = array<i32>} : memref<32x512xf32, #tpu.memory_space<vmem>>, vector<16xf32>,
        %get3A_430 = arith.index_cast %add3A_399 : i32 to index
        %get3A_431 = arith.constant 64 : index
        %get3A_432 = tpu.vector_load %arg12[%get3A_430, %get3A_431] {strides = array<i32>} : memref<32x512xf32, #tpu.memory_space<vmem>>, vector<16xf32>,
        %mul3A_433 = arith.mulf %get3A_429, %get3A_432 : vector<16xf32>
        %add3A_434 = arith.addf %mul3A_405, %mul3A_433 : vector<16xf32>
        %get3A_435 = arith.index_cast %add3A_399 : i32 to index
        %get3A_436 = arith.constant 80 : index
        %get3A_437 = tpu.vector_load %arg11[%get3A_435, %get3A_436] {strides = array<i32>} : memref<32x512xf32, #tpu.memory_space<vmem>>, vector<16xf32>,
        %get3A_438 = arith.index_cast %add3A_399 : i32 to index
        %get3A_439 = arith.constant 80 : index
        %get3A_440 = tpu.vector_load %arg12[%get3A_438, %get3A_439] {strides = array<i32>} : memref<32x512xf32, #tpu.memory_space<vmem>>, vector<16xf32>,
        %mul3A_441 = arith.mulf %get3A_437, %get3A_440 : vector<16xf32>
        %add3A_442 = arith.addf %mul3A_412, %mul3A_441 : vector<16xf32>
        %get3A_443 = arith.index_cast %add3A_399 : i32 to index
        %get3A_444 = arith.constant 96 : index
        %get3A_445 = tpu.vector_load %arg11[%get3A_443, %get3A_444] {strides = array<i32>} : memref<32x512xf32, #tpu.memory_space<vmem>>, vector<16xf32>,
        %get3A_446 = arith.index_cast %add3A_399 : i32 to index
        %get3A_447 = arith.constant 96 : index
        %get3A_448 = tpu.vector_load %arg12[%get3A_446, %get3A_447] {strides = array<i32>} : memref<32x512xf32, #tpu.memory_space<vmem>>, vector<16xf32>,
        %mul3A_449 = arith.mulf %get3A_445, %get3A_448 : vector<16xf32>
        %add3A_450 = arith.addf %mul3A_419, %mul3A_449 : vector<16xf32>
        %get3A_451 = arith.index_cast %add3A_399 : i32 to index
        %get3A_452 = arith.constant 112 : index
        %get3A_453 = tpu.vector_load %arg11[%get3A_451, %get3A_452] {strides = array<i32>} : memref<32x512xf32, #tpu.memory_space<vmem>>, vector<16xf32>,
        %get3A_454 = arith.index_cast %add3A_399 : i32 to index
        %get3A_455 = arith.constant 112 : index
        %get3A_456 = tpu.vector_load %arg12[%get3A_454, %get3A_455] {strides = array<i32>} : memref<32x512xf32, #tpu.memory_space<vmem>>, vector<16xf32>,
        %mul3A_457 = arith.mulf %get3A_453, %get3A_456 : vector<16xf32>
        %add3A_458 = arith.addf %mul3A_426, %mul3A_457 : vector<16xf32>
        %add3A_459 = arith.addf %add3A_434, %add3A_442 : vector<16xf32>
        %add3A_460 = arith.addf %add3A_450, %add3A_458 : vector<16xf32>
        %add3A_461 = arith.addf %add3A_459, %add3A_460 : vector<16xf32>
        %swap3A_462 = arith.index_cast %scan3A_397 : i32 to index
        %swap3A_463 = arith.constant 0 : index
        %swap3A_464 = tpu.vector_load %arg13[%swap3A_462, %swap3A_463] {strides = array<i32>} : memref<16x16xf32, #tpu.memory_space<vmem>>, vector<16xf32>,
        tpu.vector_store %arg13[%swap3A_462, %swap3A_463], %add3A_461 {strides = array<i32>} : memref<16x16xf32, #tpu.memory_space<vmem>>, vector<16xf32>,
      }
      %scan3A_317 = arith.constant 16 : i32
      %broadcast_in_dim3A_318 = arith.constant 0 : i32
      %broadcast_in_dim3A_319 = vector.broadcast %broadcast_in_dim3A_318 : i32 to vector<16xi32>
      %gather3A_320 = tpu.vector_load_idx %arg13[%iota3A, %broadcast_in_dim3A_319] : memref<16x16xf32, #tpu.memory_space<vmem>>[vector<16xi32>, vector<16xi32>], vector<16xf32>,
      %broadcast_in_dim3A_321 = arith.constant 1 : i32
      %broadcast_in_dim3A_322 = vector.broadcast %broadcast_in_dim3A_321 : i32 to vector<16xi32>
      %gather3A_323 = tpu.vector_load_idx %arg13[%iota3A, %broadcast_in_dim3A_322] : memref<16x16xf32, #tpu.memory_space<vmem>>[vector<16xi32>, vector<16xi32>], vector<16xf32>,
      %add3A_324 = arith.addf %gather3A_320, %gather3A_323 : vector<16xf32>
      %broadcast_in_dim3A_325 = arith.constant 2 : i32
      %broadcast_in_dim3A_326 = vector.broadcast %broadcast_in_dim3A_325 : i32 to vector<16xi32>
      %gather3A_327 = tpu.vector_load_idx %arg13[%iota3A, %broadcast_in_dim3A_326] : memref<16x16xf32, #tpu.memory_space<vmem>>[vector<16xi32>, vector<16xi32>], vector<16xf32>,
      %add3A_328 = arith.addf %add3A_324, %gather3A_327 : vector<16xf32>
      %broadcast_in_dim3A_329 = arith.constant 3 : i32
      %broadcast_in_dim3A_330 = vector.broadcast %broadcast_in_dim3A_329 : i32 to vector<16xi32>
      %gather3A_331 = tpu.vector_load_idx %arg13[%iota3A, %broadcast_in_dim3A_330] : memref<16x16xf32, #tpu.memory_space<vmem>>[vector<16xi32>, vector<16xi32>], vector<16xf32>,
      %add3A_332 = arith.addf %add3A_328, %gather3A_331 : vector<16xf32>
      %broadcast_in_dim3A_333 = arith.constant 4 : i32
      %broadcast_in_dim3A_334 = vector.broadcast %broadcast_in_dim3A_333 : i32 to vector<16xi32>
      %gather3A_335 = tpu.vector_load_idx %arg13[%iota3A, %broadcast_in_dim3A_334] : memref<16x16xf32, #tpu.memory_space<vmem>>[vector<16xi32>, vector<16xi32>], vector<16xf32>,
      %add3A_336 = arith.addf %add3A_332, %gather3A_335 : vector<16xf32>
      %broadcast_in_dim3A_337 = arith.constant 5 : i32
      %broadcast_in_dim3A_338 = vector.broadcast %broadcast_in_dim3A_337 : i32 to vector<16xi32>
      %gather3A_339 = tpu.vector_load_idx %arg13[%iota3A, %broadcast_in_dim3A_338] : memref<16x16xf32, #tpu.memory_space<vmem>>[vector<16xi32>, vector<16xi32>], vector<16xf32>,
      %add3A_340 = arith.addf %add3A_336, %gather3A_339 : vector<16xf32>
      %broadcast_in_dim3A_341 = arith.constant 6 : i32
      %broadcast_in_dim3A_342 = vector.broadcast %broadcast_in_dim3A_341 : i32 to vector<16xi32>
      %gather3A_343 = tpu.vector_load_idx %arg13[%iota3A, %broadcast_in_dim3A_342] : memref<16x16xf32, #tpu.memory_space<vmem>>[vector<16xi32>, vector<16xi32>], vector<16xf32>,
      %add3A_344 = arith.addf %add3A_340, %gather3A_343 : vector<16xf32>
      %broadcast_in_dim3A_345 = arith.constant 7 : i32
      %broadcast_in_dim3A_346 = vector.broadcast %broadcast_in_dim3A_345 : i32 to vector<16xi32>
      %gather3A_347 = tpu.vector_load_idx %arg13[%iota3A, %broadcast_in_dim3A_346] : memref<16x16xf32, #tpu.memory_space<vmem>>[vector<16xi32>, vector<16xi32>], vector<16xf32>,
      %add3A_348 = arith.addf %add3A_344, %gather3A_347 : vector<16xf32>
      %broadcast_in_dim3A_349 = arith.constant 8 : i32
      %broadcast_in_dim3A_350 = vector.broadcast %broadcast_in_dim3A_349 : i32 to vector<16xi32>
      %gather3A_351 = tpu.vector_load_idx %arg13[%iota3A, %broadcast_in_dim3A_350] : memref<16x16xf32, #tpu.memory_space<vmem>>[vector<16xi32>, vector<16xi32>], vector<16xf32>,
      %add3A_352 = arith.addf %add3A_348, %gather3A_351 : vector<16xf32>
      %broadcast_in_dim3A_353 = arith.constant 9 : i32
      %broadcast_in_dim3A_354 = vector.broadcast %broadcast_in_dim3A_353 : i32 to vector<16xi32>
      %gather3A_355 = tpu.vector_load_idx %arg13[%iota3A, %broadcast_in_dim3A_354] : memref<16x16xf32, #tpu.memory_space<vmem>>[vector<16xi32>, vector<16xi32>], vector<16xf32>,
      %add3A_356 = arith.addf %add3A_352, %gather3A_355 : vector<16xf32>
      %broadcast_in_dim3A_357 = arith.constant 10 : i32
      %broadcast_in_dim3A_358 = vector.broadcast %broadcast_in_dim3A_357 : i32 to vector<16xi32>
      %gather3A_359 = tpu.vector_load_idx %arg13[%iota3A, %broadcast_in_dim3A_358] : memref<16x16xf32, #tpu.memory_space<vmem>>[vector<16xi32>, vector<16xi32>], vector<16xf32>,
      %add3A_360 = arith.addf %add3A_356, %gather3A_359 : vector<16xf32>
      %broadcast_in_dim3A_361 = arith.constant 11 : i32
      %broadcast_in_dim3A_362 = vector.broadcast %broadcast_in_dim3A_361 : i32 to vector<16xi32>
      %gather3A_363 = tpu.vector_load_idx %arg13[%iota3A, %broadcast_in_dim3A_362] : memref<16x16xf32, #tpu.memory_space<vmem>>[vector<16xi32>, vector<16xi32>], vector<16xf32>,
      %add3A_364 = arith.addf %add3A_360, %gather3A_363 : vector<16xf32>
      %broadcast_in_dim3A_365 = arith.constant 12 : i32
      %broadcast_in_dim3A_366 = vector.broadcast %broadcast_in_dim3A_365 : i32 to vector<16xi32>
      %gather3A_367 = tpu.vector_load_idx %arg13[%iota3A, %broadcast_in_dim3A_366] : memref<16x16xf32, #tpu.memory_space<vmem>>[vector<16xi32>, vector<16xi32>], vector<16xf32>,
      %add3A_368 = arith.addf %add3A_364, %gather3A_367 : vector<16xf32>
      %broadcast_in_dim3A_369 = arith.constant 13 : i32
      %broadcast_in_dim3A_370 = vector.broadcast %broadcast_in_dim3A_369 : i32 to vector<16xi32>
      %gather3A_371 = tpu.vector_load_idx %arg13[%iota3A, %broadcast_in_dim3A_370] : memref<16x16xf32, #tpu.memory_space<vmem>>[vector<16xi32>, vector<16xi32>], vector<16xf32>,
      %add3A_372 = arith.addf %add3A_368, %gather3A_371 : vector<16xf32>
      %broadcast_in_dim3A_373 = arith.constant 14 : i32
      %broadcast_in_dim3A_374 = vector.broadcast %broadcast_in_dim3A_373 : i32 to vector<16xi32>
      %gather3A_375 = tpu.vector_load_idx %arg13[%iota3A, %broadcast_in_dim3A_374] : memref<16x16xf32, #tpu.memory_space<vmem>>[vector<16xi32>, vector<16xi32>], vector<16xf32>,
      %add3A_376 = arith.addf %add3A_372, %gather3A_375 : vector<16xf32>
      %broadcast_in_dim3A_377 = arith.constant 15 : i32
      %broadcast_in_dim3A_378 = vector.broadcast %broadcast_in_dim3A_377 : i32 to vector<16xi32>
      %gather3A_379 = tpu.vector_load_idx %arg13[%iota3A, %broadcast_in_dim3A_378] : memref<16x16xf32, #tpu.memory_space<vmem>>[vector<16xi32>, vector<16xi32>], vector<16xf32>,
      %add3A_380 = arith.addf %add3A_376, %gather3A_379 : vector<16xf32>
      %neg3A_381 = arith.constant 0.000000e+00 : f32
      %neg3A_382 = vector.broadcast %neg3A_381 : f32 to vector<16xf32>
      %neg3A_383 = arith.subf %neg3A_382, %add3A_380 : vector<16xf32>
      %exp3A_384 = math.exp %neg3A_383 : vector<16xf32>
      %add3A_385 = arith.constant 1.000000e+00 : f32
      %add3A_386 = vector.broadcast %add3A_385 : f32 to vector<16xf32>
      %add3A_387 = arith.addf %add3A_386, %exp3A_384 : vector<16xf32>
      %div3A_388 = arith.constant 1.000000e+00 : f32
      %div3A_389 = vector.broadcast %div3A_388 : f32 to vector<16xf32>
      %div3A_390 = arith.divf %div3A_389, %add3A_387 : vector<16xf32>
      %mul3A_391 = arith.constant 32 : i32
      %mul3A_392 = arith.muli %add3A_23, %mul3A_391 : i32
      %add3A_393 = arith.constant 16 : i32
      %add3A_394 = arith.addi %mul3A_392, %add3A_393 : i32
      %swap3A_395 = arith.index_cast %add3A_394 : i32 to index
      %swap3A_396 = tpu.vector_load %arg14[%swap3A_395] {strides = array<i32>} : memref<5120xf32, #tpu.memory_space<vmem>>, vector<16xf32>,
      tpu.vector_store %arg14[%swap3A_395], %div3A_390 {strides = array<i32>} : memref<5120xf32, #tpu.memory_space<vmem>>, vector<16xf32>,
    }
    %scan3A_16 = arith.constant 80 : i32
    "tpu.region"() ({
      %run_scoped3A = tpu.sem_alloc : memref<!tpu.dma_semaphore, #tpu.memory_space<semaphore_mem>>
      %dma_start3A_17 = tpu.memref_slice %arg6[%mul3A_2] : memref<163840xf32, #tpu.memory_space<hbm>> -> memref<5120xf32, #tpu.memory_space<hbm>>
      %dma_start3A_18 = tpu.memref_slice %arg6[%mul3A_2] : memref<163840xf32, #tpu.memory_space<hbm>> -> memref<5120xf32, #tpu.memory_space<hbm>>
      tpu.enqueue_dma source(%arg14 : memref<5120xf32, #tpu.memory_space<vmem>>) target(%dma_start3A_18 : memref<5120xf32, #tpu.memory_space<hbm>>) target_semaphore(%run_scoped3A : memref<!tpu.dma_semaphore, #tpu.memory_space<semaphore_mem>>)
      %dma_wait3A = tpu.memref_slice %arg6[%mul3A_2] : memref<163840xf32, #tpu.memory_space<hbm>> -> memref<5120xf32, #tpu.memory_space<hbm>>
      %dma_wait3A_19 = tpu.memref_slice %arg6[%mul3A_2] : memref<163840xf32, #tpu.memory_space<hbm>> -> memref<5120xf32, #tpu.memory_space<hbm>>
      tpu.wait_dma2 semaphore(%run_scoped3A : memref<!tpu.dma_semaphore, #tpu.memory_space<semaphore_mem>>) src(%arg14 : memref<5120xf32, #tpu.memory_space<vmem>>) dst(%dma_wait3A_19 : memref<5120xf32, #tpu.memory_space<hbm>>)
      tpu.yield
    }) : () -> ()
    return
  }
}

module attributes {stable_mosaic.version = 14 : i64} {
  func.func @_uv_body(%arg0: i32, %arg1: memref<1000x256xf32, #tpu.memory_space<vmem>>, %arg2: memref<1000x256xf32, #tpu.memory_space<vmem>>, %arg3: memref<1000x256xf32, #tpu.memory_space<vmem>>, %arg4: memref<256x256xf32, #tpu.memory_space<vmem>>, %arg5: memref<256x256xf32, #tpu.memory_space<vmem>>, %arg6: memref<1x256xf32, #tpu.memory_space<vmem>>, %arg7: memref<1x256xf32, #tpu.memory_space<vmem>>, %arg8: memref<1000x512xf32, #tpu.memory_space<vmem>>, %arg9: memref<1000x512xf32, #tpu.memory_space<vmem>>) attributes {dimension_semantics = [#tpu.dimension_semantics<arbitrary>], iteration_bounds = array<i64: 10>, scalar_prefetch = 0 : i64, scratch_operands = 0 : i64, tpu.core_type = #tpu.core_type<tc>, window_params = [{transform_indices = @transform_0, window_bounds = array<i64: 1000, 256>}, {transform_indices = @transform_1, window_bounds = array<i64: 1000, 256>}, {transform_indices = @transform_2, window_bounds = array<i64: 1000, 256>}, {pipeline_mode = #tpu.pipeline_mode<synchronous>, transform_indices = @transform_3, window_bounds = array<i64: 256, 256>}, {pipeline_mode = #tpu.pipeline_mode<synchronous>, transform_indices = @transform_4, window_bounds = array<i64: 256, 256>}, {pipeline_mode = #tpu.pipeline_mode<synchronous>, transform_indices = @transform_5, window_bounds = array<i64: 1, 256>}, {pipeline_mode = #tpu.pipeline_mode<synchronous>, transform_indices = @transform_6, window_bounds = array<i64: 1, 256>}, {transform_indices = @transform_7, window_bounds = array<i64: 1000, 512>}, {transform_indices = @transform_8, window_bounds = array<i64: 1000, 512>}]} {
    %get3A = arith.constant 0 : index
    %get3A_0 = arith.constant 0 : index
    %get3A_1 = vector.load %arg1[%get3A, %get3A_0] : memref<1000x256xf32, #tpu.memory_space<vmem>>, vector<1000x256xf32>
    %get3A_2 = arith.constant 0 : index
    %get3A_3 = arith.constant 0 : index
    %get3A_4 = vector.load %arg4[%get3A_2, %get3A_3] : memref<256x256xf32, #tpu.memory_space<vmem>>, vector<256x256xf32>
    %dot_general3A = arith.constant dense<0.000000e+00> : vector<1000x256xf32>
    %dot_general3A_5 = tpu.matmul %get3A_1, %get3A_4, %dot_general3A {dimension_numbers = #tpu.dot_dimension_numbers<[1], [0], [0], [1], [0, 0, 1, 1], [], []>, transpose_lhs_hint = false} : vector<1000x256xf32>, vector<256x256xf32>, vector<1000x256xf32> -> vector<1000x256xf32>
    %get3A_6 = arith.constant 0 : index
    %get3A_7 = arith.constant 0 : index
    %get3A_8 = vector.load %arg6[%get3A_6, %get3A_7] : memref<1x256xf32, #tpu.memory_space<vmem>>, vector<1x256xf32>
    %add3A = vector.broadcast %get3A_8 : vector<1x256xf32> to vector<1000x256xf32>
    %add3A_9 = arith.addf %dot_general3A_5, %add3A : vector<1000x256xf32>
    %get3A_10 = arith.constant 0 : index
    %get3A_11 = arith.constant 0 : index
    %get3A_12 = vector.load %arg1[%get3A_10, %get3A_11] : memref<1000x256xf32, #tpu.memory_space<vmem>>, vector<1000x256xf32>
    %get3A_13 = arith.constant 0 : index
    %get3A_14 = arith.constant 0 : index
    %get3A_15 = vector.load %arg5[%get3A_13, %get3A_14] : memref<256x256xf32, #tpu.memory_space<vmem>>, vector<256x256xf32>
    %dot_general3A_16 = arith.constant dense<0.000000e+00> : vector<1000x256xf32>
    %dot_general3A_17 = tpu.matmul %get3A_12, %get3A_15, %dot_general3A_16 {dimension_numbers = #tpu.dot_dimension_numbers<[1], [0], [0], [1], [0, 0, 1, 1], [], []>, transpose_lhs_hint = false} : vector<1000x256xf32>, vector<256x256xf32>, vector<1000x256xf32> -> vector<1000x256xf32>
    %get3A_18 = arith.constant 0 : index
    %get3A_19 = arith.constant 0 : index
    %get3A_20 = vector.load %arg7[%get3A_18, %get3A_19] : memref<1x256xf32, #tpu.memory_space<vmem>>, vector<1x256xf32>
    %add3A_21 = vector.broadcast %get3A_20 : vector<1x256xf32> to vector<1000x256xf32>
    %add3A_22 = arith.addf %dot_general3A_17, %add3A_21 : vector<1000x256xf32>
    %get3A_23 = arith.constant 0 : index
    %get3A_24 = arith.constant 0 : index
    %get3A_25 = vector.load %arg2[%get3A_23, %get3A_24] : memref<1000x256xf32, #tpu.memory_space<vmem>>, vector<1000x256xf32>
    %swap3A = arith.constant 0 : index
    %swap3A_26 = arith.constant 0 : index
    %swap3A_27 = vector.load %arg8[%swap3A, %swap3A_26] : memref<1000x512xf32, #tpu.memory_space<vmem>>, vector<1000x256xf32>
    tpu.vector_store %arg8[%swap3A, %swap3A_26], %get3A_25 {strides = array<i32>} : memref<1000x512xf32, #tpu.memory_space<vmem>>, vector<1000x256xf32>,
    %swap3A_28 = arith.constant 0 : index
    %swap3A_29 = arith.constant 256 : index
    %swap3A_30 = vector.load %arg8[%swap3A_28, %swap3A_29] : memref<1000x512xf32, #tpu.memory_space<vmem>>, vector<1000x256xf32>
    tpu.vector_store %arg8[%swap3A_28, %swap3A_29], %add3A_9 {strides = array<i32>} : memref<1000x512xf32, #tpu.memory_space<vmem>>, vector<1000x256xf32>,
    %mul3A = arith.constant 5.000000e-01 : f32
    %mul3A_31 = vector.broadcast %mul3A : f32 to vector<1000x256xf32>
    %mul3A_32 = arith.mulf %mul3A_31, %add3A_22 : vector<1000x256xf32>
    %swap3A_33 = arith.constant 0 : index
    %swap3A_34 = arith.constant 0 : index
    %swap3A_35 = vector.load %arg9[%swap3A_33, %swap3A_34] : memref<1000x512xf32, #tpu.memory_space<vmem>>, vector<1000x256xf32>
    tpu.vector_store %arg9[%swap3A_33, %swap3A_34], %mul3A_32 {strides = array<i32>} : memref<1000x512xf32, #tpu.memory_space<vmem>>, vector<1000x256xf32>,
    %get3A_36 = arith.constant 0 : index
    %get3A_37 = arith.constant 0 : index
    %get3A_38 = vector.load %arg3[%get3A_36, %get3A_37] : memref<1000x256xf32, #tpu.memory_space<vmem>>, vector<1000x256xf32>
    %mul3A_39 = arith.constant 5.000000e-01 : f32
    %mul3A_40 = vector.broadcast %mul3A_39 : f32 to vector<1000x256xf32>
    %mul3A_41 = arith.mulf %mul3A_40, %get3A_38 : vector<1000x256xf32>
    %swap3A_42 = arith.constant 0 : index
    %swap3A_43 = arith.constant 256 : index
    %swap3A_44 = vector.load %arg9[%swap3A_42, %swap3A_43] : memref<1000x512xf32, #tpu.memory_space<vmem>>, vector<1000x256xf32>
    tpu.vector_store %arg9[%swap3A_42, %swap3A_43], %mul3A_41 {strides = array<i32>} : memref<1000x512xf32, #tpu.memory_space<vmem>>, vector<1000x256xf32>,
    return
  }
  func.func @transform_0(%arg0: i32) -> (i32, i32) {
    %c0_i32 = arith.constant 0 : i32
    %c0_i32_0 = arith.constant 0 : i32
    return %arg0, %c0_i32 : i32, i32
  }
  func.func @transform_1(%arg0: i32) -> (i32, i32) {
    %c0_i32 = arith.constant 0 : i32
    %c0_i32_0 = arith.constant 0 : i32
    return %arg0, %c0_i32 : i32, i32
  }
  func.func @transform_2(%arg0: i32) -> (i32, i32) {
    %c0_i32 = arith.constant 0 : i32
    %c0_i32_0 = arith.constant 0 : i32
    return %arg0, %c0_i32 : i32, i32
  }
  func.func @transform_3(%arg0: i32) -> (i32, i32) {
    %c0_i32 = arith.constant 0 : i32
    %c0_i32_0 = arith.constant 0 : i32
    %c0_i32_1 = arith.constant 0 : i32
    return %c0_i32, %c0_i32_0 : i32, i32
  }
  func.func @transform_4(%arg0: i32) -> (i32, i32) {
    %c0_i32 = arith.constant 0 : i32
    %c0_i32_0 = arith.constant 0 : i32
    %c0_i32_1 = arith.constant 0 : i32
    return %c0_i32, %c0_i32_0 : i32, i32
  }
  func.func @transform_5(%arg0: i32) -> (i32, i32) {
    %c0_i32 = arith.constant 0 : i32
    %c0_i32_0 = arith.constant 0 : i32
    %c0_i32_1 = arith.constant 0 : i32
    return %c0_i32, %c0_i32_0 : i32, i32
  }
  func.func @transform_6(%arg0: i32) -> (i32, i32) {
    %c0_i32 = arith.constant 0 : i32
    %c0_i32_0 = arith.constant 0 : i32
    %c0_i32_1 = arith.constant 0 : i32
    return %c0_i32, %c0_i32_0 : i32, i32
  }
  func.func @transform_7(%arg0: i32) -> (i32, i32) {
    %c0_i32 = arith.constant 0 : i32
    %c0_i32_0 = arith.constant 0 : i32
    return %arg0, %c0_i32 : i32, i32
  }
  func.func @transform_8(%arg0: i32) -> (i32, i32) {
    %c0_i32 = arith.constant 0 : i32
    %c0_i32_0 = arith.constant 0 : i32
    return %arg0, %c0_i32 : i32, i32
  }
}

</mosaic_0001>

<sc_bundles>
// kernel: kernel.4.cloned.1.call-start
scs
__scs_entry_jumppad:
0x0: {  	(pc) =	sbr.rel $0x88, $3  }
0x1: {  	(tag) =	ssettag $0x0;
	lr =	simm.s32 $0x1  }
0x2: {  	[smem:$0x3F99] =	sst lr;
	_ =	strace $0xD0000000  }
0x3: {  	_ = 	snop  }
0x4: {  	_ = 	snop  }
0x5: {  	_ = 	snop  }
0x6: {  	_ = 	snop  }
0x7: {  	_ = 	snop  }
__scs_overlays_trampoline_lowered:
0x8: {  	[smem:$0x3FA8] =	sst s0  }
0x9: {  	[smem:$0x3FA9] =	sst s1  }
0xa: {  	[smem:$0x3FAA] =	sst s2  }
0xb: {  	[smem:$0x3FAB] =	sst s3  }
0xc: {  	[smem:$0x3FAC] =	sst s4  }
0xd: {  	[smem:$0x3FAD] =	sst s5  }
0xe: {  	[smem:$0x3FAE] =	sst s6  }
0xf: {  	[smem:$0x3FAF] =	sst s7  }
0x10: {  	[smem:$0x3FB0] =	sst s8  }
0x11: {  	[smem:$0x3FB1] =	sst s9;
	s0 =	simm.s32 @!p0 $0x0  }
0x12: {  	s1 =	sld [smem:$0x3F97];
	s0 =	simm.s32 @p0 $0x1  }
0x13: {  	[smem:$0x3FB2] =	sst s0;
	s0 =	simm.s32 @!p1 $0x0  }
0x14: {  	s2 =	sld [smem:$0x3F96];
	s0 =	simm.s32 @p1 $0x1  }
0x15: {  	[smem:$0x3FB3] =	sst s0;
	s0 =	simm.s32 @!p2 $0x0  }
0x16: {  	s3 =	sld [smem:$0x3FDB];
	s0 =	simm.s32 @p2 $0x1  }
0x17: {  	s4 =	simm.s32 $0x1BF5;
	[smem:$0x3FB5] =	sst s0  }
0x18: {  	s0 =	sld [smem:$0x3F98];
	_ =	swait.ge [sflag:s4], $0x0  }
0x19: {  	s7 =	sld [smem:$0x3F99]  }
0x1a: {  	s8 =	sadd.s32 $0xFFFFE003, lr  }
0x1b: {  	s9 =	sadd.s32 $0xFFFFFEF7, lr;
	s5 =	simm.s32 $0xFFFFFFFF;
	p2 =	slt.u32 s8, $0xFFFFF086  }
0x1c: {  	p1 =	slt.u32 s9, $0xF7A;
	s5 =	simm.s32 @!p2 $0x0  }
0x1d: {  	s5 =	simm.s32 @p1 $0x1;
	p0 =	seq.s32 s7, s2  }
0x1e: {  	s7 =	smul.u32 @!p0 $0xF7A, s2;
	p2 =	seq.s32 @!p0 s5, $0x0  }
0x1f: {  	s9 =	smul.u32 $0xF7A, s1;
	s8 =	simm.s32 @!p0 $0x1BF5;
	p2 =	por !p2, p0  }
0x20: {  	[sflag:s8] =	ssyncset.s32 @!p0 $0xFFFFF086;
	s6 =	sadd.s32 @!p0 s3, s7;
	s7 =	simm.s32 @!p0 $0x108  }
0x21: {  	s3 =	sadd.s32 s3, s9;
	s6 =	sadd.s32 @!p0 $0x88, s6;
	s7 =	simm.s32 @p2 $0x1082  }
0x22: {  	[simem:s7], [sflag:s8] =	dma.local @!p0 [hbm:s6], $0xF7A  }
0x23: {  	s9 =	sor.u32 $0xD0000000, s2;
	s6 =	simm.s32 $0x108;
	_ =	swait.ge @!p0 [sflag:s8], $0x0  }
0x24: {  	s3 =	sadd.s32 $0x88, s3;
	s6 =	simm.s32 @!p1 $0x1082;
	[sflag:s4] =	ssyncset.s32 $0xFFFFF086  }
0x25: {  	[simem:s6], [sflag:s4] =	dma.local [hbm:s3], $0xF7A  }
0x26: {  	[smem:$0x3F99] =	sst s1;
	(tag) =	ssettag s2;
	_ =	strace s9  }
0x27: {  	s1 =	sld [smem:$0x3FA9]  }
0x28: {  	s2 =	sld [smem:$0x3FAA]  }
0x29: {  	s4 =	sld [smem:$0x3FAC]  }
0x2a: {  	p0 =	seq.s32 s5, $0x0;
	s5 =	sld [smem:$0x3FAD]  }
0x2b: {  	s6 =	sld [smem:$0x3FAE]  }
0x2c: {  	s7 =	sld [smem:$0x3FAF]  }
0x2d: {  	s3 =	simm.s32 $0x108;
	s8 =	sld [smem:$0x3FB0]  }
0x2e: {  	s3 =	simm.s32 @!p0 $0x1082;
	s9 =	sld [smem:$0x3FB1]  }
0x2f: {  	lr =	sadd.s32 s0, s3;
	s0 =	sld [smem:$0x3FA8]  }
0x30: {  	s3 =	sld [smem:$0x3FAB]  }
0x31: {  	[smem:$0x3FB4] =	sst s10  }
0x32: {  	s10 =	sld [smem:$0x3FB2];
	_ =	sdelay $0x3  }
0x33: {  	p0 =	seq.s32 s10, $0x1;
	s10 =	sld [smem:$0x3FB4];
	_ =	sdelay $0x3  }
0x34: {  	[smem:$0x3FB4] =	sst s10  }
0x35: {  	s10 =	sld [smem:$0x3FB3];
	_ =	sdelay $0x3  }
0x36: {  	p1 =	seq.s32 s10, $0x1;
	s10 =	sld [smem:$0x3FB4];
	_ =	sdelay $0x3  }
0x37: {  	[smem:$0x3FB4] =	sst s10  }
0x38: {  	s10 =	sld [smem:$0x3FB5]  }
0x39: {  	_ = 	snop;
	(pc) =	sbr.ind lr, $3  }
0x3a: {  	_ = 	snop  }
0x3b: {  	_ = 	snop  }
0x3c: {  	p2 =	seq.s32 s10, $0x1;
	s10 =	sld [smem:$0x3FB4]  }
0x3d: {  	_ =	shalt  }
0x3e: {  	_ =	shalt  }
0x3f: {  	_ =	shalt  }
0x40: {  	_ =	shalt  }
0x41: {  	_ =	shalt  }
0x42: {  	_ =	shalt  }
0x43: {  	_ =	shalt  }
0x44: {  	_ =	shalt  }
0x45: {  	_ =	shalt  }
0x46: {  	_ =	shalt  }
0x47: {  	_ =	shalt  }
0x48: {  	_ =	shalt  }
0x49: {  	_ =	shalt  }
0x4a: {  	_ =	shalt  }
0x4b: {  	_ =	shalt  }
0x4c: {  	_ =	shalt  }
0x4d: {  	_ =	shalt  }
0x4e: {  	_ =	shalt  }
0x4f: {  	_ =	shalt  }
0x50: {  	_ =	shalt  }
0x51: {  	_ =	shalt  }
0x52: {  	_ =	shalt  }
0x53: {  	_ =	shalt  }
0x54: {  	_ =	shalt  }
0x55: {  	_ =	shalt  }
0x56: {  	_ =	shalt  }
0x57: {  	_ =	shalt  }
0x58: {  	_ =	shalt  }
0x59: {  	_ =	shalt  }
0x5a: {  	_ =	shalt  }
0x5b: {  	_ =	shalt  }
0x5c: {  	_ =	shalt  }
0x5d: {  	_ =	shalt  }
0x5e: {  	_ =	shalt  }
0x5f: {  	_ =	shalt  }
0x60: {  	_ =	shalt  }
0x61: {  	_ =	shalt  }
0x62: {  	_ =	shalt  }
0x63: {  	_ =	shalt  }
0x64: {  	_ =	shalt  }
0x65: {  	_ =	shalt  }
0x66: {  	_ =	shalt  }
0x67: {  	_ =	shalt  }
0x68: {  	_ =	shalt  }
0x69: {  	_ =	shalt  }
0x6a: {  	_ =	shalt  }
0x6b: {  	_ =	shalt  }
0x6c: {  	_ =	shalt  }
0x6d: {  	_ =	shalt  }
0x6e: {  	_ =	shalt  }
0x6f: {  	_ =	shalt  }
0x70: {  	_ =	shalt  }
0x71: {  	_ =	shalt  }
0x72: {  	_ =	shalt  }
0x73: {  	_ =	shalt  }
0x74: {  	_ =	shalt  }
0x75: {  	_ =	shalt  }
0x76: {  	_ =	shalt  }
0x77: {  	_ =	shalt  }
0x78: {  	_ =	shalt  }
0x79: {  	_ =	shalt  }
0x7a: {  	_ =	shalt  }
0x7b: {  	_ =	shalt  }
0x7c: {  	_ =	shalt  }
0x7d: {  	_ =	shalt  }
0x7e: {  	_ =	shalt  }
0x7f: {  	_ =	shalt  }
0x80: {  	_ =	shalt  }
0x81: {  	_ =	shalt  }
0x82: {  	_ =	shalt  }
0x83: {  	_ =	shalt  }
0x84: {  	_ =	shalt  }
0x85: {  	_ =	shalt  }
0x86: {  	_ =	shalt  }
0x87: {  	_ =	shalt  }
.Lfunc_end0:
.L_simem_size_0:
called_computation_lowered:
.L_overlay_start_0:
0x88: {  	s2 =	sld [smem:$0x3FD9]  }
0x89: {  	s3 =	sld [smem:$0x3FFE];
	_ =	sdelay $0x1  }
0x8a: {  	s1 =	srdreg.scid  }
0x8b: {  	s0 =	sand.u32 $0x1, s1  }
0x8c: {  	s16 =	sshll.u32 s0, $0xA;
	s2 =	sadd.s32 s3, s2  }
0x8d: {  	s2 =	sadd.s32 s2, s16  }
0x8e: {  	[smem:$0x3FC0] =	sst s2  }
0x8f: {  	_ = 	snop  }
0x90: {  	(tm) =	ssettm $0x1  }
0x91: {  	s17 =	sld [smem:$0x3FFB];
	_ =	sdelay $0x3  }
0x92: {  	_ =	strace s17  }
0x93: {  	s2 =	sld [smem:$0x3FFC];
	_ =	sdelay $0x3  }
0x94: {  	_ =	strace s2  }
0x95: {  	s2 =	sld [smem:$0x3FFD];
	_ =	sdelay $0x3  }
0x96: {  	_ =	strace s2  }
0x97: {  	_ =	strace $0x8FFFFFFF  }
0x98: {  	s18 =	sld [smem:$0x3FDB];
	_ =	sdelay $0x1  }
0x99: {  	s19 =	simm.s32 $_scs_section_size  }
0x9a: {  	s4 =	simm.s32 $_size__tile_overlayer_lowered;
	s5 =	simm.s32 $_tile_overlayer_lowered  }
0x9b: {  	s22 =	simm.s32 $0x1BFF;
	s21 =	sshll.u32 s5, $0x1;
	s2 =	sadd.s32 s19, s18  }
0x9c: {  	s6 =	simm.s32 $0x0;
	s20 =	sshll.u32 s4, $0x1;
	s4 =	sadd.s32 s21, s2  }
0x9d: {  	[timem:s6], [sflag:s22] =	dma.local [hbm:s4], s20  }
0x9e: {  	_ =	swait.ge [sflag:s22], s20  }
0x9f: {  	s3 =	ssub.s32 $0x0, s20;
	[sflag:s22] =	ssyncset.done $0x0  }
0xa0: {  	[sflag:s22] =	ssyncadd.s32 s3;
	_ =	sdelay $0x1  }
0xa1: {  	s23 =	simm.s32 $0x1B8B  }
0xa2: {  	_ =	swait.ge [sflag:s23], $0x1  }
0xa3: {  	[sflag:s23] =	ssyncset.done $0x0  }
0xa4: {  	s25 =	simm.s32 $0x1B8E;
	s24 =	sld [smem:$0x3FFE];
	[sflag:s23] =	ssyncadd.s32 $0xFFFFFFFF  }
0xa5: {  	s26 =	simm.s32 $execute0_lowered;
	[smem:$0x3FD2] =	sst s25  }
0xa6: {  	s4 =	sshll.u32 s26, $0x1;
	_ =	strace $0x80000046;
	[dreg:$0x1] =	wrdreg $0xFFFFFFFF  }
0xa7: {  	s28 =	simm.s32 $_size_execute0_lowered;
	s2 =	sadd.s32 s2, s4;
	[dreg:$0x0] =	wrdreg $0x0  }
0xa8: {  	s4 =	sshll.u32 s28, $0x1;
	[dreg:$0x2] =	wrdreg s2  }
0xa9: {  	[dreg:$0x3] =	wrdreg s4  }
0xaa: {  	[dreg:$0x4] =	wrdreg $0xC0  }
0xab: {  	_ =	task [dreg:s6], $0x5FFFF  }
0xac: {  	[dreg:$0x1] =	wrdreg $0xFFFFFFFF  }
0xad: {  	[dreg:$0x0] =	wrdreg $0x60  }
0xae: {  	[dreg:$0x2] =	wrdreg s24  }
0xaf: {  	[dreg:$0x3] =	wrdreg $0x9  }
0xb0: {  	_ =	task.clear_ibuf [dreg:s6], $0x4FFFF;
	_ =	strace $0x90000046  }
0xb1: {  	s29 =	simm.s32 $0x9;
	_ =	strace $0x80000048  }
0xb2: {  	_ =	swait.ge [sflag:s29], $0x1  }
0xb3: {  	[sflag:s29] =	ssyncadd.s32 $0xFFFFFFFF  }
0xb4: {  	_ =	strace $0x90000048  }
0xb5: {  	_ =	sfence  }
0xb6: {  	s30 =	sld [smem:$0x0];
	_ =	sdelay $0x2  }
0xb7: {  	s31 =	sshll.u32 s1, $0xD;
	s1 =	sshrl.u32 s1, $0x2  }
0xb8: {  	s3 =	sand.u32 $0x4000, s31;
	s1 =	sadd.s32 s1, s30  }
0xb9: {  	s0 =	sor.u32 s3, s0;
	s1 =	sshll.u32 s1, $0x11  }
0xba: {  	s0 =	sor.u32 s1, s0  }
0xbb: {  	s0 =	sadd.s32 $0x8F2B, s0  }
0xbc: {  	[sflag:s0] =	ssyncadd.remote.s32 $0x1  }
0xbd: {  	_ =	sfence.sel $0xFFFF  }
0xbe: {  	[dreg:$0x0] =	wrdreg $0xFFFFFFFF;
	(pc) =	sbr.abs _section_cstart, $3  }
0xbf: {  	[dreg:$0x1] =	wrdreg $0xFFFFFFFF  }
0xc0: {  	_ =	task.clear_ibuf [dreg:s6], $0x2FFFF;
	_ =	strace $0x9FFFFFFF  }
0xc1: {  	(tm) =	ssettm $0x7FFFFFFF  }
tec
execute0_lowered:
.L_overlay_start_1:
0x0: {  	(tag) =	ssettag $0x1  }
0x1: {  	s0 =	srdreg.scid  }
0x2: {  	s2 =	stileid.u32;
	s1 =	rddreg [dreg:$0x0];
	s24 =	simm.s32 $0x5  }
0x3: {  	s12 =	simm.s32 $0xC800;
	s9 =	simm.s32 $0xE000;
	s10 =	simm.s32 $0xE800  }
0x4: {  	s11 =	simm.s32 $0xF000;
	s13 =	simm.s32 $0xF800;
	s14 =	simm.s32 $0x10000  }
0x5: {  	s15 =	simm.s32 $0x10800;
	s16 =	simm.s32 $0x11000;
	s17 =	simm.s32 $0x11800  }
0x6: {  	s18 =	simm.s32 $0x12000;
	s19 =	simm.s32 $0x1;
	s20 =	simm.s32 $0x2  }
0x7: {  	s21 =	simm.s32 $0x12800;
	s22 =	simm.s32 $0x3;
	s23 =	simm.s32 $0x4  }
0x8: {  	s25 =	simm.s32 $0x0;
	s0 =	sand.u32 $0x1, s0;
	s3 =	sshll.u32 s2, $0x1  }
0x9: {  	v3 =	vlaneseq.u32;
	s2 =	simm.s32 $0x0;
	s3 =	sor.u32 s0, s3;
	s0 =	ssub.s32 $0x2, s0  }
0xa: {  	vm0 =	vmmov $0xffff;
	s4 =	sadd.s32 $0xA6A00, s1;
	v2 =	vshrl.u32 v3, $0x3;
	v1 =	vmul.u32 $0x80, v3;
	s5 =	smul.u32 $0x280, s3;
	s6 =	sshrl.u32 s0, $0x1  }
0xb: {  	s7 =	sadd.s32 $0xA700, s1;
	s8 =	sadd.s32 $0xA6B00, s1;
	v0 =	vand.u32 $0x7, v3;
	v3 =	vor.u32 $0x8, v3;
	v2 =	vmul.u32 $0x8, v2;
	s0 =	ssub.s32 s0, s6  }
0xc: {  	[smem:$0x7FF] =	sst s2;
	v4 =	vor.u32 $0x1, v1;
	v5 =	vor.u32 $0x2, v1;
	v6 =	vor.u32 $0x3, v1;
	s5 =	sadd.s32 s5, s1;
	s0 =	smax.u32 s0, $0x1  }
0xd: {  	_ =	strace $0x80000047;
	v7 =	vor.u32 $0x4, v1;
	v8 =	vor.u32 $0x5, v1;
	v9 =	vor.u32 $0x6, v1;
	s29 =	sadd.s32 $0x5600, s5;
	[dreg:$0x5] =	wrdreg s0  }
0xe: {  	s3 =	sadd.s32 $0xA600, s1;
	v10 =	vor.u32 $0x7, v1;
	v11 =	vor.u32 $0x8, v1;
	v12 =	vor.u32 $0x9, v1;
	s30 =	sadd.s32 $0x600, s5;
	[dreg:$0x2] =	wrdreg s29  }
0xf: {  	v13 =	vor.u32 $0xA, v1;
	v14 =	vor.u32 $0xB, v1;
	v15 =	vor.u32 $0xC, v1;
	s6 =	simm.s32 $0xD800;
	s31 =	sadd.s32 $0x142E00, s5;
	[dreg:$0x3] =	wrdreg s30  }
0x10: {  	v16 =	vor.u32 $0xD, v1;
	v17 =	vor.u32 $0xE, v1;
	v18 =	vor.u32 $0xF, v1;
	s0 =	simm.s32 $0xC000;
	s5 =	simm.s32 $0xD000;
	[dreg:$0x4] =	wrdreg s31  }
.LBB2_1:
0x11: {  	[dreg:$0x6] =	wrdreg s25  }
0x12: {  	s1 =	rddreg [dreg:$0x2]  }
0x13: {  	[tilespmem:s2], [sflag:$0x5] =	stream.linear.gather [hbm4b:s1+s2], $0x1400, $0x38;
	[tilespmem:$0x14400] =	vst v63  }
0x14: {  	_ =	swait.ge [sflag:s24], $0x1400  }
0x15: {  	[sflag:s24] =	ssyncset.done $0x0  }
0x16: {  	s29 =	simm.s32 $0x1400;
	s28 =	rddreg [dreg:$0x3];
	[sflag:s24] =	ssyncadd.s32 $0xFFFFEC00  }
0x17: {  	[tilespmem:s29], [sflag:$0x5] =	stream.linear.gather [hbm4b:s28+s2], $0x1400, $0x38;
	[tilespmem:$0x14400] =	vst v63  }
0x18: {  	_ =	swait.ge [sflag:s24], $0x1400  }
0x19: {  	[sflag:s24] =	ssyncset.done $0x0  }
0x1a: {  	[sflag:s24] =	ssyncadd.s32 $0xFFFFEC00  }
0x1b: {  	v19 =	vld [tilespmem:$0x0];
	_ =	sdelay $0x4  }
0x1c: {  	v20 =	vshll.u32 v19, $0x2  }
0x1d: {  	v19 =	vand.u32 $0x7, v19;
	v20 =	vand.u32 $0xFFFFFFE0, v20  }
0x1e: {  	v19 =	vor.u32 v19, v20  }
0x1f: {  	v20 =	vperm.xlane v19, v0;
	_ =	sdelay $0x1  }
0x20: {  	v20 =	vadd.s32 v2, v20;
	_ =	sdelay $0x1  }
0x21: {  	v19 =	vperm.xlane v19, v3;
	_ =	sdelay $0x1  }
0x22: {  	s30 =	simm.s32 $0x2800;
	v19 =	vadd.s32 v2, v19  }
0x23: {  	[tilespmem:s30], [sflag:$0x1] =	stream.indirect_vreg.gather [hbm4b:s3+s2], $0x80, v20, vm0, $0xb8;
	[tilespmem:$0x14400] =	vst v63  }
0x24: {  	s31 =	simm.s32 $0x3000  }
0x25: {  	[tilespmem:s31], [sflag:$0x1] =	stream.indirect_vreg.gather [hbm4b:s7+s2], $0x80, v20, vm0, $0xb8;
	[tilespmem:$0x14400] =	vst v63  }
0x26: {  	s24 =	simm.s32 $0x3800  }
0x27: {  	[tilespmem:s24], [sflag:$0x1] =	stream.indirect_vreg.gather [hbm4b:s3+s2], $0x80, v19, vm0, $0xb8;
	[tilespmem:$0x14400] =	vst v63  }
0x28: {  	s25 =	simm.s32 $0x4000  }
0x29: {  	[tilespmem:s25], [sflag:$0x1] =	stream.indirect_vreg.gather [hbm4b:s7+s2], $0x80, v19, vm0, $0xb8;
	[tilespmem:$0x14400] =	vst v63  }
0x2a: {  	v19 =	vld [tilespmem:$0x10];
	_ =	sdelay $0x4  }
0x2b: {  	v20 =	vshll.u32 v19, $0x2  }
0x2c: {  	v19 =	vand.u32 $0x7, v19;
	v20 =	vand.u32 $0xFFFFFFE0, v20  }
0x2d: {  	v19 =	vor.u32 v19, v20  }
0x2e: {  	v20 =	vperm.xlane v19, v0;
	_ =	sdelay $0x1  }
0x2f: {  	v20 =	vadd.s32 v2, v20;
	_ =	sdelay $0x1  }
0x30: {  	v19 =	vperm.xlane v19, v3;
	_ =	sdelay $0x1  }
0x31: {  	s26 =	simm.s32 $0x4800;
	v19 =	vadd.s32 v2, v19  }
0x32: {  	[tilespmem:s26], [sflag:$0x1] =	stream.indirect_vreg.gather [hbm4b:s3+s2], $0x80, v20, vm0, $0xb8;
	[tilespmem:$0x14400] =	vst v63  }
0x33: {  	s28 =	simm.s32 $0x5000  }
0x34: {  	[tilespmem:s28], [sflag:$0x1] =	stream.indirect_vreg.gather [hbm4b:s7+s2], $0x80, v20, vm0, $0xb8;
	[tilespmem:$0x14400] =	vst v63  }
0x35: {  	s29 =	simm.s32 $0x5800  }
0x36: {  	[tilespmem:s29], [sflag:$0x1] =	stream.indirect_vreg.gather [hbm4b:s3+s2], $0x80, v19, vm0, $0xb8;
	[tilespmem:$0x14400] =	vst v63  }
0x37: {  	s30 =	simm.s32 $0x6000  }
0x38: {  	[tilespmem:s30], [sflag:$0x1] =	stream.indirect_vreg.gather [hbm4b:s7+s2], $0x80, v19, vm0, $0xb8;
	[tilespmem:$0x14400] =	vst v63  }
0x39: {  	v19 =	vld [tilespmem:$0x1400];
	_ =	sdelay $0x4  }
0x3a: {  	v20 =	vshll.u32 v19, $0x2  }
0x3b: {  	v19 =	vand.u32 $0x7, v19;
	v20 =	vand.u32 $0xFFFFFFE0, v20  }
0x3c: {  	v19 =	vor.u32 v19, v20  }
0x3d: {  	v20 =	vperm.xlane v19, v0;
	_ =	sdelay $0x1  }
0x3e: {  	v20 =	vadd.s32 v2, v20;
	_ =	sdelay $0x1  }
0x3f: {  	v19 =	vperm.xlane v19, v3;
	_ =	sdelay $0x1  }
0x40: {  	s31 =	simm.s32 $0x6800;
	v19 =	vadd.s32 v2, v19  }
0x41: {  	[tilespmem:s31], [sflag:$0x2] =	stream.indirect_vreg.gather [hbm4b:s4+s2], $0x80, v20, vm0, $0xb8;
	[tilespmem:$0x14400] =	vst v63  }
0x42: {  	s24 =	simm.s32 $0x7000  }
0x43: {  	[tilespmem:s24], [sflag:$0x2] =	stream.indirect_vreg.gather [hbm4b:s8+s2], $0x80, v20, vm0, $0xb8;
	[tilespmem:$0x14400] =	vst v63  }
0x44: {  	s25 =	simm.s32 $0x7800  }
0x45: {  	[tilespmem:s25], [sflag:$0x2] =	stream.indirect_vreg.gather [hbm4b:s4+s2], $0x80, v19, vm0, $0xb8;
	[tilespmem:$0x14400] =	vst v63  }
0x46: {  	s26 =	simm.s32 $0x8000  }
0x47: {  	[tilespmem:s26], [sflag:$0x2] =	stream.indirect_vreg.gather [hbm4b:s8+s2], $0x80, v19, vm0, $0xb8;
	[tilespmem:$0x14400] =	vst v63  }
0x48: {  	v19 =	vld [tilespmem:$0x1410];
	_ =	sdelay $0x4  }
0x49: {  	v20 =	vshll.u32 v19, $0x2  }
0x4a: {  	v19 =	vand.u32 $0x7, v19;
	v20 =	vand.u32 $0xFFFFFFE0, v20  }
0x4b: {  	v19 =	vor.u32 v19, v20  }
0x4c: {  	v20 =	vperm.xlane v19, v0;
	_ =	sdelay $0x1  }
0x4d: {  	v20 =	vadd.s32 v2, v20;
	_ =	sdelay $0x1  }
0x4e: {  	v19 =	vperm.xlane v19, v3;
	_ =	sdelay $0x1  }
0x4f: {  	s28 =	simm.s32 $0x8800;
	v19 =	vadd.s32 v2, v19  }
0x50: {  	[tilespmem:s28], [sflag:$0x2] =	stream.indirect_vreg.gather [hbm4b:s4+s2], $0x80, v20, vm0, $0xb8;
	[tilespmem:$0x14400] =	vst v63  }
0x51: {  	s29 =	simm.s32 $0x9000  }
0x52: {  	[tilespmem:s29], [sflag:$0x2] =	stream.indirect_vreg.gather [hbm4b:s8+s2], $0x80, v20, vm0, $0xb8;
	[tilespmem:$0x14400] =	vst v63  }
0x53: {  	s30 =	simm.s32 $0x9800  }
0x54: {  	[tilespmem:s30], [sflag:$0x2] =	stream.indirect_vreg.gather [hbm4b:s4+s2], $0x80, v19, vm0, $0xb8;
	[tilespmem:$0x14400] =	vst v63  }
0x55: {  	s31 =	simm.s32 $0xA000;
	s24 =	simm.s32 $0x0  }
0x56: {  	[tilespmem:s31], [sflag:$0x2] =	stream.indirect_vreg.gather [hbm4b:s8+s2], $0x80, v19, vm0, $0xb8;
	[tilespmem:$0x14400] =	vst v63  }
.LBB2_2:
0x57: {  	s25 =	sshll.u32 s24, $0x6  }
0x58: {  	v19 =	vld [tilespmem:s25+$0x20];
	_ =	sdelay $0x4  }
0x59: {  	v20 =	vshll.u32 v19, $0x2  }
0x5a: {  	v19 =	vand.u32 $0x7, v19;
	v20 =	vand.u32 $0xFFFFFFE0, v20  }
0x5b: {  	v19 =	vor.u32 v19, v20  }
0x5c: {  	v20 =	vperm.xlane v19, v0;
	_ =	sdelay $0x1  }
0x5d: {  	v20 =	vadd.s32 v2, v20;
	_ =	sdelay $0x1  }
0x5e: {  	v19 =	vperm.xlane v19, v3;
	_ =	sdelay $0x1  }
0x5f: {  	s28 =	simm.s32 $0x0;
	s1 =	simm.s32 $0xA800;
	v19 =	vadd.s32 v2, v19  }
0x60: {  	[tilespmem:s1], [sflag:$0x3] =	stream.indirect_vreg.gather [hbm4b:s3+s28], $0x80, v20, vm0, $0xb8;
	[tilespmem:$0x14400] =	vst v63  }
0x61: {  	s26 =	simm.s32 $0xB000  }
0x62: {  	[tilespmem:s26], [sflag:$0x3] =	stream.indirect_vreg.gather [hbm4b:s7+s28], $0x80, v20, vm0, $0xb8;
	[tilespmem:$0x14400] =	vst v63  }
0x63: {  	s26 =	simm.s32 $0xB800  }
0x64: {  	[tilespmem:s26], [sflag:$0x3] =	stream.indirect_vreg.gather [hbm4b:s3+s28], $0x80, v19, vm0, $0xb8;
	[tilespmem:$0x14400] =	vst v63  }
0x65: {  	_ = 	snop  }
0x66: {  	[tilespmem:s0], [sflag:$0x3] =	stream.indirect_vreg.gather [hbm4b:s7+s28], $0x80, v19, vm0, $0xb8;
	[tilespmem:$0x14400] =	vst v63  }
0x67: {  	v19 =	vld [tilespmem:s25+$0x30];
	_ =	sdelay $0x4  }
0x68: {  	v20 =	vshll.u32 v19, $0x2  }
0x69: {  	v19 =	vand.u32 $0x7, v19;
	v20 =	vand.u32 $0xFFFFFFE0, v20  }
0x6a: {  	v19 =	vor.u32 v19, v20  }
0x6b: {  	v20 =	vperm.xlane v19, v0;
	_ =	sdelay $0x1  }
0x6c: {  	v20 =	vadd.s32 v2, v20;
	_ =	sdelay $0x1  }
0x6d: {  	v19 =	vperm.xlane v19, v3;
	_ =	sdelay $0x1  }
0x6e: {  	v19 =	vadd.s32 v2, v19  }
0x6f: {  	[tilespmem:s12], [sflag:$0x3] =	stream.indirect_vreg.gather [hbm4b:s3+s28], $0x80, v20, vm0, $0xb8;
	[tilespmem:$0x14400] =	vst v63  }
0x70: {  	_ = 	snop  }
0x71: {  	[tilespmem:s5], [sflag:$0x3] =	stream.indirect_vreg.gather [hbm4b:s7+s28], $0x80, v20, vm0, $0xb8;
	[tilespmem:$0x14400] =	vst v63  }
0x72: {  	_ = 	snop  }
0x73: {  	[tilespmem:s6], [sflag:$0x3] =	stream.indirect_vreg.gather [hbm4b:s3+s28], $0x80, v19, vm0, $0xb8;
	[tilespmem:$0x14400] =	vst v63  }
0x74: {  	_ = 	snop  }
0x75: {  	[tilespmem:s9], [sflag:$0x3] =	stream.indirect_vreg.gather [hbm4b:s7+s28], $0x80, v19, vm0, $0xb8;
	[tilespmem:$0x14400] =	vst v63  }
0x76: {  	v19 =	vld [tilespmem:s25+$0x1420];
	_ =	sdelay $0x4  }
0x77: {  	v20 =	vshll.u32 v19, $0x2  }
0x78: {  	v19 =	vand.u32 $0x7, v19;
	v20 =	vand.u32 $0xFFFFFFE0, v20  }
0x79: {  	v19 =	vor.u32 v19, v20  }
0x7a: {  	v20 =	vperm.xlane v19, v0;
	_ =	sdelay $0x1  }
0x7b: {  	v20 =	vadd.s32 v2, v20;
	_ =	sdelay $0x1  }
0x7c: {  	v19 =	vperm.xlane v19, v3;
	_ =	sdelay $0x1  }
0x7d: {  	v19 =	vadd.s32 v2, v19  }
0x7e: {  	[tilespmem:s10], [sflag:$0x4] =	stream.indirect_vreg.gather [hbm4b:s4+s28], $0x80, v20, vm0, $0xb8;
	[tilespmem:$0x14400] =	vst v63  }
0x7f: {  	_ = 	snop  }
0x80: {  	[tilespmem:s11], [sflag:$0x4] =	stream.indirect_vreg.gather [hbm4b:s8+s28], $0x80, v20, vm0, $0xb8;
	[tilespmem:$0x14400] =	vst v63  }
0x81: {  	_ = 	snop  }
0x82: {  	[tilespmem:s13], [sflag:$0x4] =	stream.indirect_vreg.gather [hbm4b:s4+s28], $0x80, v19, vm0, $0xb8;
	[tilespmem:$0x14400] =	vst v63  }
0x83: {  	_ = 	snop  }
0x84: {  	[tilespmem:s14], [sflag:$0x4] =	stream.indirect_vreg.gather [hbm4b:s8+s28], $0x80, v19, vm0, $0xb8;
	[tilespmem:$0x14400] =	vst v63  }
0x85: {  	v19 =	vld [tilespmem:s25+$0x1430];
	_ =	sdelay $0x4  }
0x86: {  	v20 =	vshll.u32 v19, $0x2  }
0x87: {  	v19 =	vand.u32 $0x7, v19;
	v20 =	vand.u32 $0xFFFFFFE0, v20  }
0x88: {  	v19 =	vor.u32 v19, v20  }
0x89: {  	v20 =	vperm.xlane v19, v0;
	_ =	sdelay $0x1  }
0x8a: {  	v20 =	vadd.s32 v2, v20;
	_ =	sdelay $0x1  }
0x8b: {  	v19 =	vperm.xlane v19, v3;
	_ =	sdelay $0x1  }
0x8c: {  	v19 =	vadd.s32 v2, v19  }
0x8d: {  	[tilespmem:s15], [sflag:$0x4] =	stream.indirect_vreg.gather [hbm4b:s4+s28], $0x80, v20, vm0, $0xb8;
	[tilespmem:$0x14400] =	vst v63  }
0x8e: {  	_ = 	snop  }
0x8f: {  	[tilespmem:s16], [sflag:$0x4] =	stream.indirect_vreg.gather [hbm4b:s8+s28], $0x80, v20, vm0, $0xb8;
	[tilespmem:$0x14400] =	vst v63  }
0x90: {  	_ = 	snop  }
0x91: {  	[tilespmem:s17], [sflag:$0x4] =	stream.indirect_vreg.gather [hbm4b:s4+s28], $0x80, v19, vm0, $0xb8;
	[tilespmem:$0x14400] =	vst v63  }
0x92: {  	_ = 	snop  }
0x93: {  	[tilespmem:s18], [sflag:$0x4] =	stream.indirect_vreg.gather [hbm4b:s8+s28], $0x80, v19, vm0, $0xb8;
	[tilespmem:$0x14400] =	vst v63  }
0x94: {  	_ =	swait.ge [sflag:s19], $0x4000  }
0x95: {  	[sflag:s19] =	ssyncset.done $0x0  }
0x96: {  	[sflag:s19] =	ssyncadd.s32 $0xFFFFC000  }
0x97: {  	_ =	swait.ge [sflag:s20], $0x4000  }
0x98: {  	s29 =	sand.u32 $0x380, s28;
	s26 =	sand.u32 $0x1000, s28;
	[sflag:s20] =	ssyncset.done $0x0  }
0x99: {  	s31 =	sor.u32 s29, s26;
	[sflag:s20] =	ssyncadd.s32 $0xFFFFC000  }
0x9a: {  	v19 =	vld [tilespmem:s31+$0x6800]  }
0x9b: {  	v20 =	vld [tilespmem:s31+$0x2800]  }
0x9c: {  	v21 =	vld [tilespmem:s31+$0x2840]  }
0x9d: {  	v22 =	vld [tilespmem:s31+$0x6840]  }
0x9e: {  	v23 =	vld [tilespmem:s31+$0x2810]  }
0x9f: {  	v24 =	vld [tilespmem:s31+$0x6810]  }
0xa0: {  	v25 =	vld [tilespmem:s31+$0x2850]  }
0xa1: {  	v26 =	vld [tilespmem:s31+$0x6850]  }
0xa2: {  	v27 =	vld [tilespmem:s31+$0x2820]  }
0xa3: {  	v28 =	vld [tilespmem:s31+$0x6820]  }
0xa4: {  	v29 =	vld [tilespmem:s31+$0x2860]  }
0xa5: {  	v30 =	vld [tilespmem:s31+$0x6860]  }
0xa6: {  	v31 =	vld [tilespmem:s31+$0x2830]  }
0xa7: {  	s30 =	simm.s32 $0x200;
	s26 =	sor.u32 $0x20, s25;
	s29 =	simm.s32 $0x0;
	v32 =	vld [tilespmem:s31+$0x6830]  }
.LBB2_3:
0xa8: {  	p0 =	sne.s32 s30, $0x1E00;
	v33 =	vld [tilespmem:s31+$0x2870]  }
0xa9: {  	v34 =	vld [tilespmem:s31+$0x6870];
	_ =	sdelay $0x1  }
0xaa: {  	v19 =	vmul.f32 v19, v20;
	v20 =	vmul.f32 v22, v21  }
0xab: {  	v21 =	vmul.f32 v24, v23;
	v22 =	vmul.f32 v26, v25  }
0xac: {  	v23 =	vmul.f32 v28, v27;
	v24 =	vmul.f32 v30, v29  }
0xad: {  	v25 =	vmul.f32 v32, v31;
	v26 =	vmul.f32 v34, v33  }
0xae: {  	v19 =	vadd.f32 v20, v19;
	v20 =	vadd.f32 v22, v21  }
0xaf: {  	v21 =	vadd.f32 v24, v23;
	v22 =	vadd.f32 v26, v25;
	_ =	sdelay $0x1  }
0xb0: {  	v19 =	vadd.f32 v20, v19;
	v20 =	vadd.f32 v22, v21;
	_ =	sdelay $0x1  }
0xb1: {  	s28 =	sadd.s32 $0x80, s28;
	v19 =	vadd.f32 v20, v19  }
0xb2: {  	s29 =	sshra.s32 s29, $0x2;
	s31 =	sand.u32 $0x1000, s30;
	s1 =	sand.u32 $0x380, s28  }
0xb3: {  	s31 =	sor.u32 s1, s31;
	[tilespmem:s29+$0x12800] =	vst v19;
	s29 =	smov.u32 s30  }
0xb4: {  	v19 =	vld [tilespmem:s31+$0x6800]  }
0xb5: {  	v20 =	vld [tilespmem:s31+$0x2800]  }
0xb6: {  	v21 =	vld [tilespmem:s31+$0x2840]  }
0xb7: {  	v22 =	vld [tilespmem:s31+$0x6840]  }
0xb8: {  	v23 =	vld [tilespmem:s31+$0x2810]  }
0xb9: {  	v24 =	vld [tilespmem:s31+$0x6810]  }
0xba: {  	v25 =	vld [tilespmem:s31+$0x2850]  }
0xbb: {  	v26 =	vld [tilespmem:s31+$0x6850]  }
0xbc: {  	v27 =	vld [tilespmem:s31+$0x2820]  }
.Ltmp0:
0xbd: {  	v28 =	vld [tilespmem:s31+$0x6820];
	(pc) =	sbr.rel @p0 .LBB2_3-.Ltmp0, $4  }
0xbe: {  	v29 =	vld [tilespmem:s31+$0x2860]  }
0xbf: {  	v30 =	vld [tilespmem:s31+$0x6860]  }
0xc0: {  	v31 =	vld [tilespmem:s31+$0x2830]  }
0xc1: {  	s30 =	sadd.s32 $0x200, s30;
	v32 =	vld [tilespmem:s31+$0x6830]  }
0xc2: {  	v33 =	vld [tilespmem:s31+$0x2870]  }
0xc3: {  	v34 =	vld [tilespmem:s31+$0x6870];
	_ =	sdelay $0x1  }
0xc4: {  	v19 =	vmul.f32 v19, v20;
	v20 =	vmul.f32 v22, v21  }
0xc5: {  	v21 =	vmul.f32 v24, v23;
	v22 =	vmul.f32 v26, v25  }
0xc6: {  	v23 =	vmul.f32 v28, v27;
	v24 =	vmul.f32 v30, v29  }
0xc7: {  	v25 =	vmul.f32 v32, v31;
	v26 =	vmul.f32 v34, v33  }
0xc8: {  	v19 =	vadd.f32 v20, v19;
	v20 =	vadd.f32 v22, v21  }
0xc9: {  	v21 =	vadd.f32 v24, v23;
	v22 =	vadd.f32 v26, v25;
	_ =	sdelay $0x1  }
0xca: {  	v19 =	vadd.f32 v20, v19;
	v20 =	vadd.f32 v22, v21;
	_ =	sdelay $0x1  }
0xcb: {  	v19 =	vadd.f32 v20, v19  }
0xcc: {  	s1 =	sshra.s32 s29, $0x2  }
0xcd: {  	[tilespmem:s1+$0x12800] =	vst v19  }
0xce: {  	v19 =	vld.idx.msk [tilespmem:v1+s21+$0x0], $0xffff  }
0xcf: {  	v20 =	vld.idx.msk [tilespmem:v4+s21+$0x0], $0xffff;
	_ =	sdelay $0x1  }
0xd0: {  	v21 =	vld.idx.msk [tilespmem:v5+s21+$0x0], $0xffff;
	_ =	sdelay $0x1  }
0xd1: {  	v22 =	vld.idx.msk [tilespmem:v6+s21+$0x0], $0xffff  }
0xd2: {  	v19 =	vadd.f32 v20, v19  }
0xd3: {  	v20 =	vld.idx.msk [tilespmem:v7+s21+$0x0], $0xffff  }
0xd4: {  	v19 =	vadd.f32 v21, v19  }
0xd5: {  	v21 =	vld.idx.msk [tilespmem:v8+s21+$0x0], $0xffff  }
0xd6: {  	v19 =	vadd.f32 v22, v19  }
0xd7: {  	v22 =	vld.idx.msk [tilespmem:v9+s21+$0x0], $0xffff  }
0xd8: {  	v19 =	vadd.f32 v20, v19  }
0xd9: {  	v20 =	vld.idx.msk [tilespmem:v10+s21+$0x0], $0xffff  }
0xda: {  	v19 =	vadd.f32 v21, v19  }
0xdb: {  	v21 =	vld.idx.msk [tilespmem:v11+s21+$0x0], $0xffff  }
0xdc: {  	v19 =	vadd.f32 v22, v19  }
0xdd: {  	v22 =	vld.idx.msk [tilespmem:v12+s21+$0x0], $0xffff  }
0xde: {  	v19 =	vadd.f32 v20, v19  }
0xdf: {  	v20 =	vld.idx.msk [tilespmem:v13+s21+$0x0], $0xffff  }
0xe0: {  	v19 =	vadd.f32 v21, v19  }
0xe1: {  	v21 =	vld.idx.msk [tilespmem:v14+s21+$0x0], $0xffff  }
0xe2: {  	v19 =	vadd.f32 v22, v19  }
0xe3: {  	v22 =	vld.idx.msk [tilespmem:v15+s21+$0x0], $0xffff  }
0xe4: {  	v19 =	vadd.f32 v20, v19  }
0xe5: {  	v20 =	vld.idx.msk [tilespmem:v16+s21+$0x0], $0xffff  }
0xe6: {  	v19 =	vadd.f32 v21, v19  }
0xe7: {  	v21 =	vld.idx.msk [tilespmem:v17+s21+$0x0], $0xffff  }
0xe8: {  	v19 =	vadd.f32 v22, v19  }
0xe9: {  	v22 =	vld.idx.msk [tilespmem:v18+s21+$0x0], $0xffff  }
0xea: {  	v19 =	vadd.f32 v20, v19;
	_ =	sdelay $0x1  }
0xeb: {  	v19 =	vadd.f32 v21, v19;
	_ =	sdelay $0x1  }
0xec: {  	v19 =	vadd.f32 v22, v19;
	_ =	sdelay $0x1  }
0xed: {  	v19 =	vsub.f32 $0.0e+00, v19;
	_ =	sdelay $0x1  }
0xee: {  	v19 =	vmul.f32 $1.442695020e+00, v19;
	_ =	sdelay $0x1  }
0xef: {  	(erf) = vpow2.f32 v19;
	_ =	sdelay $0x8  }
0xf0: {  	v19 =	vpop (erf)  }
0xf1: {  	v19 =	vadd.f32 $1.000000000e+00, v19;
	_ =	sdelay $0x1  }
0xf2: {  	(erf) = vrcp.f32 v19;
	_ =	sdelay $0x7  }
0xf3: {  	s28 =	simm.s32 $0x0  }
0xf4: {  	s29 =	sand.u32 $0x380, s28;
	s1 =	sand.u32 $0x1000, s28;
	v19 =	vpop (erf)  }
0xf5: {  	s31 =	sor.u32 s29, s1;
	[tilespmem:s25+$0x13000] =	vst v19  }
0xf6: {  	v19 =	vld [tilespmem:s31+$0x8800]  }
0xf7: {  	v20 =	vld [tilespmem:s31+$0x4800]  }
0xf8: {  	v21 =	vld [tilespmem:s31+$0x4840]  }
0xf9: {  	v22 =	vld [tilespmem:s31+$0x8840]  }
0xfa: {  	v23 =	vld [tilespmem:s31+$0x4810]  }
0xfb: {  	v24 =	vld [tilespmem:s31+$0x8810]  }
0xfc: {  	v25 =	vld [tilespmem:s31+$0x4850]  }
0xfd: {  	v26 =	vld [tilespmem:s31+$0x8850]  }
0xfe: {  	v27 =	vld [tilespmem:s31+$0x4820]  }
0xff: {  	v28 =	vld [tilespmem:s31+$0x8820]  }
0x100: {  	v29 =	vld [tilespmem:s31+$0x4860]  }
0x101: {  	v30 =	vld [tilespmem:s31+$0x8860]  }
0x102: {  	v31 =	vld [tilespmem:s31+$0x4830]  }
0x103: {  	s30 =	simm.s32 $0x200;
	s29 =	simm.s32 $0x0;
	v32 =	vld [tilespmem:s31+$0x8830]  }
.LBB2_5:
0x104: {  	p0 =	sne.s32 s30, $0x1E00;
	v33 =	vld [tilespmem:s31+$0x4870]  }
0x105: {  	v34 =	vld [tilespmem:s31+$0x8870];
	_ =	sdelay $0x1  }
0x106: {  	v19 =	vmul.f32 v19, v20;
	v20 =	vmul.f32 v22, v21  }
0x107: {  	v21 =	vmul.f32 v24, v23;
	v22 =	vmul.f32 v26, v25  }
0x108: {  	v23 =	vmul.f32 v28, v27;
	v24 =	vmul.f32 v30, v29  }
0x109: {  	v25 =	vmul.f32 v32, v31;
	v26 =	vmul.f32 v34, v33  }
0x10a: {  	v19 =	vadd.f32 v20, v19;
	v20 =	vadd.f32 v22, v21  }
0x10b: {  	v21 =	vadd.f32 v24, v23;
	v22 =	vadd.f32 v26, v25;
	_ =	sdelay $0x1  }
0x10c: {  	v19 =	vadd.f32 v20, v19;
	v20 =	vadd.f32 v22, v21;
	_ =	sdelay $0x1  }
0x10d: {  	s28 =	sadd.s32 $0x80, s28;
	v19 =	vadd.f32 v20, v19  }
0x10e: {  	s1 =	sand.u32 $0x1000, s30;
	s29 =	sshra.s32 s29, $0x2;
	s31 =	sand.u32 $0x380, s28  }
0x10f: {  	s31 =	sor.u32 s31, s1;
	[tilespmem:s29+$0x12800] =	vst v19;
	s29 =	smov.u32 s30  }
0x110: {  	v19 =	vld [tilespmem:s31+$0x8800]  }
0x111: {  	v20 =	vld [tilespmem:s31+$0x4800]  }
0x112: {  	v21 =	vld [tilespmem:s31+$0x4840]  }
0x113: {  	v22 =	vld [tilespmem:s31+$0x8840]  }
0x114: {  	v23 =	vld [tilespmem:s31+$0x4810]  }
0x115: {  	v24 =	vld [tilespmem:s31+$0x8810]  }
0x116: {  	v25 =	vld [tilespmem:s31+$0x4850]  }
0x117: {  	v26 =	vld [tilespmem:s31+$0x8850]  }
0x118: {  	v27 =	vld [tilespmem:s31+$0x4820]  }
.Ltmp1:
0x119: {  	v28 =	vld [tilespmem:s31+$0x8820];
	(pc) =	sbr.rel @p0 .LBB2_5-.Ltmp1, $4  }
0x11a: {  	v29 =	vld [tilespmem:s31+$0x4860]  }
0x11b: {  	v30 =	vld [tilespmem:s31+$0x8860]  }
0x11c: {  	v31 =	vld [tilespmem:s31+$0x4830]  }
0x11d: {  	s30 =	sadd.s32 $0x200, s30;
	v32 =	vld [tilespmem:s31+$0x8830]  }
0x11e: {  	v33 =	vld [tilespmem:s31+$0x4870]  }
0x11f: {  	v34 =	vld [tilespmem:s31+$0x8870];
	_ =	sdelay $0x1  }
0x120: {  	v19 =	vmul.f32 v19, v20;
	v20 =	vmul.f32 v22, v21  }
0x121: {  	v46 =	vmul.f32 v24, v23;
	v47 =	vmul.f32 v26, v25  }
0x122: {  	v48 =	vmul.f32 v28, v27;
	v49 =	vmul.f32 v30, v29  }
0x123: {  	v50 =	vmul.f32 v32, v31;
	v51 =	vmul.f32 v34, v33  }
0x124: {  	v19 =	vadd.f32 v20, v19;
	v20 =	vadd.f32 v47, v46  }
0x125: {  	v52 =	vadd.f32 v49, v48;
	v53 =	vadd.f32 v51, v50;
	_ =	sdelay $0x1  }
0x126: {  	v19 =	vadd.f32 v20, v19;
	v20 =	vadd.f32 v53, v52;
	_ =	sdelay $0x1  }
0x127: {  	v19 =	vadd.f32 v20, v19  }
0x128: {  	s1 =	sshra.s32 s29, $0x2  }
0x129: {  	[tilespmem:s1+$0x12800] =	vst v19  }
0x12a: {  	v19 =	vld.idx.msk [tilespmem:v1+s21+$0x0], $0xffff  }
0x12b: {  	v20 =	vld.idx.msk [tilespmem:v4+s21+$0x0], $0xffff;
	_ =	sdelay $0x1  }
0x12c: {  	v54 =	vld.idx.msk [tilespmem:v5+s21+$0x0], $0xffff;
	_ =	sdelay $0x1  }
0x12d: {  	v55 =	vld.idx.msk [tilespmem:v6+s21+$0x0], $0xffff  }
0x12e: {  	v19 =	vadd.f32 v20, v19  }
0x12f: {  	v20 =	vld.idx.msk [tilespmem:v7+s21+$0x0], $0xffff  }
0x130: {  	v19 =	vadd.f32 v54, v19  }
0x131: {  	v56 =	vld.idx.msk [tilespmem:v8+s21+$0x0], $0xffff  }
0x132: {  	v19 =	vadd.f32 v55, v19  }
0x133: {  	v57 =	vld.idx.msk [tilespmem:v9+s21+$0x0], $0xffff  }
0x134: {  	v19 =	vadd.f32 v20, v19  }
0x135: {  	v20 =	vld.idx.msk [tilespmem:v10+s21+$0x0], $0xffff  }
0x136: {  	v19 =	vadd.f32 v56, v19  }
0x137: {  	v58 =	vld.idx.msk [tilespmem:v11+s21+$0x0], $0xffff  }
0x138: {  	v19 =	vadd.f32 v57, v19  }
0x139: {  	v59 =	vld.idx.msk [tilespmem:v12+s21+$0x0], $0xffff  }
0x13a: {  	v19 =	vadd.f32 v20, v19  }
0x13b: {  	v20 =	vld.idx.msk [tilespmem:v13+s21+$0x0], $0xffff  }
0x13c: {  	v19 =	vadd.f32 v58, v19  }
0x13d: {  	v60 =	vld.idx.msk [tilespmem:v14+s21+$0x0], $0xffff  }
0x13e: {  	v19 =	vadd.f32 v59, v19  }
0x13f: {  	v61 =	vld.idx.msk [tilespmem:v15+s21+$0x0], $0xffff  }
0x140: {  	v19 =	vadd.f32 v20, v19  }
0x141: {  	v20 =	vld.idx.msk [tilespmem:v16+s21+$0x0], $0xffff  }
0x142: {  	v19 =	vadd.f32 v60, v19  }
0x143: {  	v62 =	vld.idx.msk [tilespmem:v17+s21+$0x0], $0xffff  }
0x144: {  	v19 =	vadd.f32 v61, v19  }
0x145: {  	v63 =	vld.idx.msk [tilespmem:v18+s21+$0x0], $0xffff  }
0x146: {  	v19 =	vadd.f32 v20, v19;
	_ =	sdelay $0x1  }
0x147: {  	v19 =	vadd.f32 v62, v19;
	_ =	sdelay $0x1  }
0x148: {  	v19 =	vadd.f32 v63, v19;
	_ =	sdelay $0x1  }
0x149: {  	v19 =	vsub.f32 $0.0e+00, v19;
	_ =	sdelay $0x1  }
0x14a: {  	v19 =	vmul.f32 $1.442695020e+00, v19;
	_ =	sdelay $0x1  }
0x14b: {  	(erf) = vpow2.f32 v19;
	_ =	sdelay $0x8  }
0x14c: {  	v19 =	vpop (erf)  }
0x14d: {  	v19 =	vadd.f32 $1.000000000e+00, v19;
	_ =	sdelay $0x1  }
0x14e: {  	(erf) = vrcp.f32 v19;
	_ =	sdelay $0x4  }
0x14f: {  	p0 =	seq.s32 s24, $0x4F  }
.Ltmp2:
0x150: {  	_ = 	snop;
	(pc) =	sbr.rel @p0 .LBB2_8-.Ltmp2, $3  }
0x151: {  	_ =	sdelay $0x1  }
0x152: {  	v19 =	vpop (erf)  }
0x153: {  	[tilespmem:s25+$0x13010] =	vst v19  }
0x154: {  	v19 =	vld [tilespmem:s25+$0x40];
	_ =	sdelay $0x4  }
0x155: {  	v20 =	vshll.u32 v19, $0x2  }
0x156: {  	v19 =	vand.u32 $0x7, v19;
	v20 =	vand.u32 $0xFFFFFFE0, v20  }
0x157: {  	v19 =	vor.u32 v19, v20  }
0x158: {  	v20 =	vperm.xlane v19, v0;
	_ =	sdelay $0x1  }
0x159: {  	v20 =	vadd.s32 v2, v20;
	_ =	sdelay $0x1  }
0x15a: {  	v19 =	vperm.xlane v19, v3;
	_ =	sdelay $0x1  }
0x15b: {  	s1 =	simm.s32 $0x2800;
	v19 =	vadd.s32 v2, v19  }
0x15c: {  	[tilespmem:s1], [sflag:$0x1] =	stream.indirect_vreg.gather [hbm4b:s3+s2], $0x80, v20, vm0, $0xb8;
	[tilespmem:$0x14400] =	vst v63  }
0x15d: {  	s29 =	simm.s32 $0x3000  }
0x15e: {  	[tilespmem:s29], [sflag:$0x1] =	stream.indirect_vreg.gather [hbm4b:s7+s2], $0x80, v20, vm0, $0xb8;
	[tilespmem:$0x14400] =	vst v63  }
0x15f: {  	s30 =	simm.s32 $0x3800  }
0x160: {  	[tilespmem:s30], [sflag:$0x1] =	stream.indirect_vreg.gather [hbm4b:s3+s2], $0x80, v19, vm0, $0xb8;
	[tilespmem:$0x14400] =	vst v63  }
0x161: {  	s31 =	simm.s32 $0x4000  }
0x162: {  	[tilespmem:s31], [sflag:$0x1] =	stream.indirect_vreg.gather [hbm4b:s7+s2], $0x80, v19, vm0, $0xb8;
	[tilespmem:$0x14400] =	vst v63  }
0x163: {  	v19 =	vld [tilespmem:s25+$0x50];
	_ =	sdelay $0x4  }
0x164: {  	v20 =	vshll.u32 v19, $0x2  }
0x165: {  	v19 =	vand.u32 $0x7, v19;
	v20 =	vand.u32 $0xFFFFFFE0, v20  }
0x166: {  	v19 =	vor.u32 v19, v20  }
0x167: {  	v20 =	vperm.xlane v19, v0;
	_ =	sdelay $0x1  }
0x168: {  	v20 =	vadd.s32 v2, v20;
	_ =	sdelay $0x1  }
0x169: {  	v19 =	vperm.xlane v19, v3;
	_ =	sdelay $0x1  }
0x16a: {  	s28 =	simm.s32 $0x4800;
	v19 =	vadd.s32 v2, v19  }
0x16b: {  	[tilespmem:s28], [sflag:$0x1] =	stream.indirect_vreg.gather [hbm4b:s3+s2], $0x80, v20, vm0, $0xb8;
	[tilespmem:$0x14400] =	vst v63  }
0x16c: {  	s29 =	simm.s32 $0x5000  }
0x16d: {  	[tilespmem:s29], [sflag:$0x1] =	stream.indirect_vreg.gather [hbm4b:s7+s2], $0x80, v20, vm0, $0xb8;
	[tilespmem:$0x14400] =	vst v63  }
0x16e: {  	s30 =	simm.s32 $0x5800  }
0x16f: {  	[tilespmem:s30], [sflag:$0x1] =	stream.indirect_vreg.gather [hbm4b:s3+s2], $0x80, v19, vm0, $0xb8;
	[tilespmem:$0x14400] =	vst v63  }
0x170: {  	s31 =	simm.s32 $0x6000  }
0x171: {  	[tilespmem:s31], [sflag:$0x1] =	stream.indirect_vreg.gather [hbm4b:s7+s2], $0x80, v19, vm0, $0xb8;
	[tilespmem:$0x14400] =	vst v63  }
0x172: {  	v19 =	vld [tilespmem:s25+$0x1440];
	_ =	sdelay $0x4  }
0x173: {  	v20 =	vshll.u32 v19, $0x2  }
0x174: {  	v19 =	vand.u32 $0x7, v19;
	v20 =	vand.u32 $0xFFFFFFE0, v20  }
0x175: {  	v19 =	vor.u32 v19, v20  }
0x176: {  	v20 =	vperm.xlane v19, v0;
	_ =	sdelay $0x1  }
0x177: {  	v20 =	vadd.s32 v2, v20;
	_ =	sdelay $0x1  }
0x178: {  	v19 =	vperm.xlane v19, v3;
	_ =	sdelay $0x1  }
0x179: {  	s28 =	simm.s32 $0x6800;
	v19 =	vadd.s32 v2, v19  }
0x17a: {  	[tilespmem:s28], [sflag:$0x2] =	stream.indirect_vreg.gather [hbm4b:s4+s2], $0x80, v20, vm0, $0xb8;
	[tilespmem:$0x14400] =	vst v63  }
0x17b: {  	s29 =	simm.s32 $0x7000  }
0x17c: {  	[tilespmem:s29], [sflag:$0x2] =	stream.indirect_vreg.gather [hbm4b:s8+s2], $0x80, v20, vm0, $0xb8;
	[tilespmem:$0x14400] =	vst v63  }
0x17d: {  	s30 =	simm.s32 $0x7800  }
0x17e: {  	[tilespmem:s30], [sflag:$0x2] =	stream.indirect_vreg.gather [hbm4b:s4+s2], $0x80, v19, vm0, $0xb8;
	[tilespmem:$0x14400] =	vst v63  }
0x17f: {  	s31 =	simm.s32 $0x8000  }
0x180: {  	[tilespmem:s31], [sflag:$0x2] =	stream.indirect_vreg.gather [hbm4b:s8+s2], $0x80, v19, vm0, $0xb8;
	[tilespmem:$0x14400] =	vst v63  }
0x181: {  	v19 =	vld [tilespmem:s25+$0x1450];
	_ =	sdelay $0x4  }
0x182: {  	v20 =	vshll.u32 v19, $0x2  }
0x183: {  	v19 =	vand.u32 $0x7, v19;
	v20 =	vand.u32 $0xFFFFFFE0, v20  }
0x184: {  	v19 =	vor.u32 v19, v20  }
0x185: {  	v20 =	vperm.xlane v19, v0;
	_ =	sdelay $0x1  }
0x186: {  	v20 =	vadd.s32 v2, v20;
	_ =	sdelay $0x1  }
0x187: {  	v19 =	vperm.xlane v19, v3;
	_ =	sdelay $0x1  }
0x188: {  	s28 =	simm.s32 $0x8800;
	v19 =	vadd.s32 v2, v19  }
0x189: {  	[tilespmem:s28], [sflag:$0x2] =	stream.indirect_vreg.gather [hbm4b:s4+s2], $0x80, v20, vm0, $0xb8;
	[tilespmem:$0x14400] =	vst v63  }
0x18a: {  	s29 =	simm.s32 $0x9000  }
0x18b: {  	[tilespmem:s29], [sflag:$0x2] =	stream.indirect_vreg.gather [hbm4b:s8+s2], $0x80, v20, vm0, $0xb8;
	[tilespmem:$0x14400] =	vst v63  }
0x18c: {  	s30 =	simm.s32 $0x9800  }
0x18d: {  	[tilespmem:s30], [sflag:$0x2] =	stream.indirect_vreg.gather [hbm4b:s4+s2], $0x80, v19, vm0, $0xb8;
	[tilespmem:$0x14400] =	vst v63  }
0x18e: {  	s31 =	simm.s32 $0xA000  }
0x18f: {  	[tilespmem:s31], [sflag:$0x2] =	stream.indirect_vreg.gather [hbm4b:s8+s2], $0x80, v19, vm0, $0xb8;
	[tilespmem:$0x14400] =	vst v63  }
.LBB2_8:
0x190: {  	_ =	swait.ge [sflag:s22], $0x4000  }
0x191: {  	[sflag:s22] =	ssyncset.done $0x0  }
0x192: {  	[sflag:s22] =	ssyncadd.s32 $0xFFFFC000  }
0x193: {  	s28 =	simm.s32 $0x0;
	_ =	swait.ge [sflag:s23], $0x4000  }
0x194: {  	s1 =	sand.u32 $0x1000, s28;
	s29 =	sand.u32 $0x380, s28;
	[sflag:s23] =	ssyncset.done $0x0  }
0x195: {  	s31 =	sor.u32 s29, s1;
	[sflag:s23] =	ssyncadd.s32 $0xFFFFC000  }
0x196: {  	v19 =	vld [tilespmem:s31+$0xE800]  }
0x197: {  	v20 =	vld [tilespmem:s31+$0xA800]  }
0x198: {  	v21 =	vld [tilespmem:s31+$0xA840]  }
0x199: {  	v22 =	vld [tilespmem:s31+$0xE840]  }
0x19a: {  	v23 =	vld [tilespmem:s31+$0xA810]  }
0x19b: {  	v24 =	vld [tilespmem:s31+$0xE810]  }
0x19c: {  	v25 =	vld [tilespmem:s31+$0xA850]  }
0x19d: {  	v26 =	vld [tilespmem:s31+$0xE850]  }
0x19e: {  	v27 =	vld [tilespmem:s31+$0xA820]  }
0x19f: {  	v28 =	vld [tilespmem:s31+$0xE820]  }
0x1a0: {  	v29 =	vld [tilespmem:s31+$0xA860]  }
0x1a1: {  	v30 =	vld [tilespmem:s31+$0xE860]  }
0x1a2: {  	v31 =	vld [tilespmem:s31+$0xA830]  }
0x1a3: {  	s30 =	simm.s32 $0x200;
	s29 =	simm.s32 $0x0;
	v32 =	vld [tilespmem:s31+$0xE830]  }
.LBB2_9:
0x1a4: {  	p0 =	sne.s32 s30, $0x1E00;
	v33 =	vld [tilespmem:s31+$0xA870]  }
0x1a5: {  	v34 =	vld [tilespmem:s31+$0xE870];
	_ =	sdelay $0x1  }
0x1a6: {  	v19 =	vmul.f32 v19, v20;
	v20 =	vmul.f32 v22, v21  }
0x1a7: {  	v21 =	vmul.f32 v24, v23;
	v22 =	vmul.f32 v26, v25  }
0x1a8: {  	v23 =	vmul.f32 v28, v27;
	v24 =	vmul.f32 v30, v29  }
0x1a9: {  	v25 =	vmul.f32 v32, v31;
	v26 =	vmul.f32 v34, v33  }
0x1aa: {  	v19 =	vadd.f32 v20, v19;
	v20 =	vadd.f32 v22, v21  }
0x1ab: {  	v21 =	vadd.f32 v24, v23;
	v22 =	vadd.f32 v26, v25;
	_ =	sdelay $0x1  }
0x1ac: {  	v19 =	vadd.f32 v20, v19;
	v20 =	vadd.f32 v22, v21;
	_ =	sdelay $0x1  }
0x1ad: {  	s28 =	sadd.s32 $0x80, s28;
	v19 =	vadd.f32 v20, v19  }
0x1ae: {  	s1 =	sand.u32 $0x1000, s30;
	s29 =	sshra.s32 s29, $0x2;
	s31 =	sand.u32 $0x380, s28  }
0x1af: {  	s31 =	sor.u32 s31, s1;
	[tilespmem:s29+$0x12800] =	vst v19;
	s29 =	smov.u32 s30  }
0x1b0: {  	v19 =	vld [tilespmem:s31+$0xE800]  }
0x1b1: {  	v20 =	vld [tilespmem:s31+$0xA800]  }
0x1b2: {  	v21 =	vld [tilespmem:s31+$0xA840]  }
0x1b3: {  	v22 =	vld [tilespmem:s31+$0xE840]  }
0x1b4: {  	v23 =	vld [tilespmem:s31+$0xA810]  }
0x1b5: {  	v24 =	vld [tilespmem:s31+$0xE810]  }
0x1b6: {  	v25 =	vld [tilespmem:s31+$0xA850]  }
0x1b7: {  	v26 =	vld [tilespmem:s31+$0xE850]  }
0x1b8: {  	v27 =	vld [tilespmem:s31+$0xA820]  }
.Ltmp3:
0x1b9: {  	v28 =	vld [tilespmem:s31+$0xE820];
	(pc) =	sbr.rel @p0 .LBB2_9-.Ltmp3, $4  }
0x1ba: {  	v29 =	vld [tilespmem:s31+$0xA860]  }
0x1bb: {  	v30 =	vld [tilespmem:s31+$0xE860]  }
0x1bc: {  	v31 =	vld [tilespmem:s31+$0xA830]  }
0x1bd: {  	s30 =	sadd.s32 $0x200, s30;
	v32 =	vld [tilespmem:s31+$0xE830]  }
0x1be: {  	v33 =	vld [tilespmem:s31+$0xA870]  }
0x1bf: {  	v34 =	vld [tilespmem:s31+$0xE870];
	_ =	sdelay $0x1  }
0x1c0: {  	v19 =	vmul.f32 v19, v20;
	v20 =	vmul.f32 v22, v21  }
0x1c1: {  	v21 =	vmul.f32 v24, v23;
	v22 =	vmul.f32 v26, v25  }
0x1c2: {  	v23 =	vmul.f32 v28, v27;
	v24 =	vmul.f32 v30, v29  }
0x1c3: {  	v25 =	vmul.f32 v32, v31;
	v26 =	vmul.f32 v34, v33  }
0x1c4: {  	v19 =	vadd.f32 v20, v19;
	v20 =	vadd.f32 v22, v21  }
0x1c5: {  	v21 =	vadd.f32 v24, v23;
	v22 =	vadd.f32 v26, v25;
	_ =	sdelay $0x1  }
0x1c6: {  	v19 =	vadd.f32 v20, v19;
	v20 =	vadd.f32 v22, v21;
	_ =	sdelay $0x1  }
0x1c7: {  	v19 =	vadd.f32 v20, v19  }
0x1c8: {  	s1 =	sshra.s32 s29, $0x2  }
0x1c9: {  	[tilespmem:s1+$0x12800] =	vst v19  }
0x1ca: {  	v19 =	vld.idx.msk [tilespmem:v1+s21+$0x0], $0xffff  }
0x1cb: {  	v20 =	vld.idx.msk [tilespmem:v4+s21+$0x0], $0xffff;
	_ =	sdelay $0x1  }
0x1cc: {  	v21 =	vld.idx.msk [tilespmem:v5+s21+$0x0], $0xffff;
	_ =	sdelay $0x1  }
0x1cd: {  	v22 =	vld.idx.msk [tilespmem:v6+s21+$0x0], $0xffff  }
0x1ce: {  	v19 =	vadd.f32 v20, v19  }
0x1cf: {  	v20 =	vld.idx.msk [tilespmem:v7+s21+$0x0], $0xffff  }
0x1d0: {  	v19 =	vadd.f32 v21, v19  }
0x1d1: {  	v21 =	vld.idx.msk [tilespmem:v8+s21+$0x0], $0xffff  }
0x1d2: {  	v19 =	vadd.f32 v22, v19  }
0x1d3: {  	v22 =	vld.idx.msk [tilespmem:v9+s21+$0x0], $0xffff  }
0x1d4: {  	v19 =	vadd.f32 v20, v19  }
0x1d5: {  	v20 =	vld.idx.msk [tilespmem:v10+s21+$0x0], $0xffff  }
0x1d6: {  	v19 =	vadd.f32 v21, v19  }
0x1d7: {  	v21 =	vld.idx.msk [tilespmem:v11+s21+$0x0], $0xffff  }
0x1d8: {  	v19 =	vadd.f32 v22, v19  }
0x1d9: {  	v22 =	vld.idx.msk [tilespmem:v12+s21+$0x0], $0xffff  }
0x1da: {  	v19 =	vadd.f32 v20, v19  }
0x1db: {  	v20 =	vld.idx.msk [tilespmem:v13+s21+$0x0], $0xffff  }
0x1dc: {  	v19 =	vadd.f32 v21, v19  }
0x1dd: {  	v21 =	vld.idx.msk [tilespmem:v14+s21+$0x0], $0xffff  }
0x1de: {  	v19 =	vadd.f32 v22, v19  }
0x1df: {  	v22 =	vld.idx.msk [tilespmem:v15+s21+$0x0], $0xffff  }
0x1e0: {  	v19 =	vadd.f32 v20, v19  }
0x1e1: {  	v20 =	vld.idx.msk [tilespmem:v16+s21+$0x0], $0xffff  }
0x1e2: {  	v19 =	vadd.f32 v21, v19  }
0x1e3: {  	v21 =	vld.idx.msk [tilespmem:v17+s21+$0x0], $0xffff  }
0x1e4: {  	v19 =	vadd.f32 v22, v19  }
0x1e5: {  	v22 =	vld.idx.msk [tilespmem:v18+s21+$0x0], $0xffff  }
0x1e6: {  	v19 =	vadd.f32 v20, v19;
	_ =	sdelay $0x1  }
0x1e7: {  	v19 =	vadd.f32 v21, v19;
	_ =	sdelay $0x1  }
0x1e8: {  	v19 =	vadd.f32 v22, v19;
	_ =	sdelay $0x1  }
0x1e9: {  	v19 =	vsub.f32 $0.0e+00, v19;
	_ =	sdelay $0x1  }
0x1ea: {  	v19 =	vmul.f32 $1.442695020e+00, v19;
	_ =	sdelay $0x1  }
0x1eb: {  	(erf) = vpow2.f32 v19;
	_ =	sdelay $0x8  }
0x1ec: {  	v19 =	vpop (erf)  }
0x1ed: {  	v19 =	vadd.f32 $1.000000000e+00, v19;
	_ =	sdelay $0x1  }
0x1ee: {  	(erf) = vrcp.f32 v19;
	_ =	sdelay $0x7  }
0x1ef: {  	s28 =	simm.s32 $0x0  }
0x1f0: {  	s31 =	sand.u32 $0x1000, s28;
	s29 =	sand.u32 $0x380, s28;
	v19 =	vpop (erf)  }
0x1f1: {  	s30 =	sor.u32 s29, s31;
	[tilespmem:s26+$0x13000] =	vst v19  }
0x1f2: {  	v19 =	vld [tilespmem:s30+$0x10800]  }
0x1f3: {  	v20 =	vld [tilespmem:s30+$0xC800]  }
0x1f4: {  	v21 =	vld [tilespmem:s30+$0xC840]  }
0x1f5: {  	v22 =	vld [tilespmem:s30+$0x10840]  }
0x1f6: {  	v23 =	vld [tilespmem:s30+$0xC810]  }
0x1f7: {  	v24 =	vld [tilespmem:s30+$0x10810]  }
0x1f8: {  	v25 =	vld [tilespmem:s30+$0xC850]  }
0x1f9: {  	v26 =	vld [tilespmem:s30+$0x10850]  }
0x1fa: {  	v27 =	vld [tilespmem:s30+$0xC820]  }
0x1fb: {  	v28 =	vld [tilespmem:s30+$0x10820]  }
0x1fc: {  	v29 =	vld [tilespmem:s30+$0xC860]  }
0x1fd: {  	v30 =	vld [tilespmem:s30+$0x10860]  }
0x1fe: {  	v31 =	vld [tilespmem:s30+$0xC830]  }
0x1ff: {  	s29 =	simm.s32 $0x200;
	s26 =	simm.s32 $0x0;
	v32 =	vld [tilespmem:s30+$0x10830]  }
.LBB2_11:
0x200: {  	p0 =	sne.s32 s29, $0x1E00;
	v33 =	vld [tilespmem:s30+$0xC870]  }
0x201: {  	v34 =	vld [tilespmem:s30+$0x10870];
	_ =	sdelay $0x1  }
0x202: {  	v19 =	vmul.f32 v19, v20;
	v20 =	vmul.f32 v22, v21  }
0x203: {  	v21 =	vmul.f32 v24, v23;
	v22 =	vmul.f32 v26, v25  }
0x204: {  	v23 =	vmul.f32 v28, v27;
	v24 =	vmul.f32 v30, v29  }
0x205: {  	v25 =	vmul.f32 v32, v31;
	v26 =	vmul.f32 v34, v33  }
0x206: {  	v19 =	vadd.f32 v20, v19;
	v20 =	vadd.f32 v22, v21  }
0x207: {  	v21 =	vadd.f32 v24, v23;
	v22 =	vadd.f32 v26, v25;
	_ =	sdelay $0x1  }
0x208: {  	v19 =	vadd.f32 v20, v19;
	v20 =	vadd.f32 v22, v21;
	_ =	sdelay $0x1  }
0x209: {  	s28 =	sadd.s32 $0x80, s28;
	v19 =	vadd.f32 v20, v19  }
0x20a: {  	s1 =	sand.u32 $0x1000, s29;
	s26 =	sshra.s32 s26, $0x2;
	s30 =	sand.u32 $0x380, s28  }
0x20b: {  	s30 =	sor.u32 s30, s1;
	[tilespmem:s26+$0x12800] =	vst v19;
	s26 =	smov.u32 s29  }
0x20c: {  	v19 =	vld [tilespmem:s30+$0x10800]  }
0x20d: {  	v20 =	vld [tilespmem:s30+$0xC800]  }
0x20e: {  	v21 =	vld [tilespmem:s30+$0xC840]  }
0x20f: {  	v22 =	vld [tilespmem:s30+$0x10840]  }
0x210: {  	v23 =	vld [tilespmem:s30+$0xC810]  }
0x211: {  	v24 =	vld [tilespmem:s30+$0x10810]  }
0x212: {  	v25 =	vld [tilespmem:s30+$0xC850]  }
0x213: {  	v26 =	vld [tilespmem:s30+$0x10850]  }
0x214: {  	v27 =	vld [tilespmem:s30+$0xC820]  }
.Ltmp4:
0x215: {  	v28 =	vld [tilespmem:s30+$0x10820];
	(pc) =	sbr.rel @p0 .LBB2_11-.Ltmp4, $4  }
0x216: {  	v29 =	vld [tilespmem:s30+$0xC860]  }
0x217: {  	v30 =	vld [tilespmem:s30+$0x10860]  }
0x218: {  	v31 =	vld [tilespmem:s30+$0xC830]  }
0x219: {  	s29 =	sadd.s32 $0x200, s29;
	v32 =	vld [tilespmem:s30+$0x10830]  }
0x21a: {  	v33 =	vld [tilespmem:s30+$0xC870]  }
0x21b: {  	v34 =	vld [tilespmem:s30+$0x10870];
	_ =	sdelay $0x1  }
0x21c: {  	v19 =	vmul.f32 v19, v20;
	v20 =	vmul.f32 v22, v21  }
0x21d: {  	v46 =	vmul.f32 v24, v23;
	v47 =	vmul.f32 v26, v25  }
0x21e: {  	v48 =	vmul.f32 v28, v27;
	v49 =	vmul.f32 v30, v29  }
0x21f: {  	v50 =	vmul.f32 v32, v31;
	v51 =	vmul.f32 v34, v33  }
0x220: {  	v19 =	vadd.f32 v20, v19;
	v20 =	vadd.f32 v47, v46  }
0x221: {  	v52 =	vadd.f32 v49, v48;
	v53 =	vadd.f32 v51, v50;
	_ =	sdelay $0x1  }
0x222: {  	v19 =	vadd.f32 v20, v19;
	v20 =	vadd.f32 v53, v52;
	_ =	sdelay $0x1  }
0x223: {  	v19 =	vadd.f32 v20, v19  }
0x224: {  	s1 =	sshra.s32 s26, $0x2  }
0x225: {  	[tilespmem:s1+$0x12800] =	vst v19  }
0x226: {  	v19 =	vld.idx.msk [tilespmem:v1+s21+$0x0], $0xffff  }
0x227: {  	v20 =	vld.idx.msk [tilespmem:v4+s21+$0x0], $0xffff;
	_ =	sdelay $0x1  }
0x228: {  	v54 =	vld.idx.msk [tilespmem:v5+s21+$0x0], $0xffff;
	_ =	sdelay $0x1  }
0x229: {  	v55 =	vld.idx.msk [tilespmem:v6+s21+$0x0], $0xffff  }
0x22a: {  	v19 =	vadd.f32 v20, v19  }
0x22b: {  	v20 =	vld.idx.msk [tilespmem:v7+s21+$0x0], $0xffff  }
0x22c: {  	v19 =	vadd.f32 v54, v19  }
0x22d: {  	v56 =	vld.idx.msk [tilespmem:v8+s21+$0x0], $0xffff  }
0x22e: {  	v19 =	vadd.f32 v55, v19  }
0x22f: {  	v57 =	vld.idx.msk [tilespmem:v9+s21+$0x0], $0xffff  }
0x230: {  	v19 =	vadd.f32 v20, v19  }
0x231: {  	v20 =	vld.idx.msk [tilespmem:v10+s21+$0x0], $0xffff  }
0x232: {  	v19 =	vadd.f32 v56, v19  }
0x233: {  	v58 =	vld.idx.msk [tilespmem:v11+s21+$0x0], $0xffff  }
0x234: {  	v19 =	vadd.f32 v57, v19  }
0x235: {  	v59 =	vld.idx.msk [tilespmem:v12+s21+$0x0], $0xffff  }
0x236: {  	v19 =	vadd.f32 v20, v19  }
0x237: {  	v20 =	vld.idx.msk [tilespmem:v13+s21+$0x0], $0xffff  }
0x238: {  	v19 =	vadd.f32 v58, v19  }
0x239: {  	v60 =	vld.idx.msk [tilespmem:v14+s21+$0x0], $0xffff  }
0x23a: {  	v19 =	vadd.f32 v59, v19  }
0x23b: {  	v61 =	vld.idx.msk [tilespmem:v15+s21+$0x0], $0xffff  }
0x23c: {  	v19 =	vadd.f32 v20, v19  }
0x23d: {  	v20 =	vld.idx.msk [tilespmem:v16+s21+$0x0], $0xffff  }
0x23e: {  	v19 =	vadd.f32 v60, v19  }
0x23f: {  	v62 =	vld.idx.msk [tilespmem:v17+s21+$0x0], $0xffff  }
0x240: {  	v19 =	vadd.f32 v61, v19  }
0x241: {  	v63 =	vld.idx.msk [tilespmem:v18+s21+$0x0], $0xffff  }
0x242: {  	v19 =	vadd.f32 v20, v19;
	_ =	sdelay $0x1  }
0x243: {  	v19 =	vadd.f32 v62, v19;
	_ =	sdelay $0x1  }
0x244: {  	v19 =	vadd.f32 v63, v19;
	_ =	sdelay $0x1  }
0x245: {  	v19 =	vsub.f32 $0.0e+00, v19;
	_ =	sdelay $0x1  }
0x246: {  	v19 =	vmul.f32 $1.442695020e+00, v19;
	_ =	sdelay $0x1  }
0x247: {  	(erf) = vpow2.f32 v19;
	_ =	sdelay $0x8  }
0x248: {  	v19 =	vpop (erf)  }
0x249: {  	v19 =	vadd.f32 $1.000000000e+00, v19;
	_ =	sdelay $0x1  }
0x24a: {  	(erf) = vrcp.f32 v19;
	_ =	sdelay $0x3  }
0x24b: {  	s24 =	sadd.s32 $0x1, s24  }
0x24c: {  	p0 =	sne.s32 s24, $0x50  }
.Ltmp5:
0x24d: {  	_ = 	snop;
	(pc) =	sbr.rel @p0 .LBB2_2-.Ltmp5, $3  }
0x24e: {  	_ =	sdelay $0x1  }
0x24f: {  	v19 =	vpop (erf)  }
0x250: {  	[tilespmem:s25+$0x13030] =	vst v19  }
0x251: {  	s1 =	rddreg [dreg:$0x4];
	s24 =	simm.s32 $0x13000  }
0x252: {  	[hbm4b:s1+s2] =	stream.linear.scatter [tilespmem:s24], [sflag:$0x5], $0x1400, $0x38;
	[tilespmem:$0x14400] =	vst v63  }
0x253: {  	s24 =	simm.s32 $0x5  }
0x254: {  	_ =	swait.ge [sflag:s24], $0x1400  }
0x255: {  	s25 =	rddreg [dreg:$0x6]  }
0x256: {  	s31 =	rddreg [dreg:$0x5];
	s25 =	sadd.s32 $0x1, s25  }
0x257: {  	p0 =	sne.s32 s25, s31  }
.Ltmp6:
0x258: {  	_ = 	snop;
	(pc) =	sbr.rel @p0 .LBB2_1-.Ltmp6, $3  }
0x259: {  	_ =	sdelay $0x1  }
0x25a: {  	[sflag:s24] =	ssyncset.done $0x0  }
0x25b: {  	[sflag:s24] =	ssyncadd.s32 $0xFFFFEC00  }
0x25c: {  	_ =	sfence.sel $0x180000  }
0x25d: {  	[bflag:$0x0] =	sbarrier.arrive $0xFFFF  }
0x25e: {  	_ =	strace $0x90000047  }
0x25f: {  	s0 =	stileid.u32;
	[bflag:$0x2] =	sbarrier.arrive $0xFFFF  }
0x260: {  	p0 =	sne.s32 s0, $0x0;
	s0 =	rddreg [dreg:$0x1]  }
0x261: {  	s0 =	sadd.s32 @!p0 $0x100000, s0  }
0x262: {  	[sflag:s0] =	ssyncadd.tile.s32 @!p0 $0x1;
	_ =	shalt  }
.Lfunc_end2:
_tile_overlayer_lowered:
.L_overlay_start_2:
0x263: {  	(tag) =	ssettag $0x2  }
0x264: {  	s0 =	rddreg [dreg:$0x0];
	s2 =	stileid.u32  }
0x265: {  	s1 =	rddreg [dreg:$0x1];
	p0 =	sne.s32 s2, $0x0  }
0x266: {  	s3 =	rddreg [dreg:$0x2];
	[bflag:$0x3] =	sbarrier.arrive $0xFFFF;
	s2 =	simm.s32 @!p0 $0x1C05  }
0x267: {  	[timem:s3], [sflag:s2] =	dma.local @!p0 [hbm:s0], s1  }
0x268: {  	s0 =	simm.s32 @!p0 $0x5  }
0x269: {  	_ =	swait.ge @!p0 [sflag:s0], s1  }
0x26a: {  	s1 =	ssub.s32 @!p0 $0x0, s1;
	[sflag:s0] =	ssyncset.done @!p0 $0x0  }
0x26b: {  	[sflag:s0] =	ssyncadd.s32 @!p0 s1  }
0x26c: {  	[bflag:$0x3] =	sbarrier.arrive $0xFFFF  }
0x26d: {  	_ =	shalt  }

</sc_bundles>
